<compile_context>
chip_gen: v7x
topology: tpu7x:2x2x1
jax: 0.10.2.dev20260603
libtpu: 0.0.44.dev20260713+nightly
codegen_flags: <defaults>
</compile_context>

<pallas_src>
import functools

import jax
import jax.numpy as jnp
from jax import lax
from jax.experimental import pallas as pl
from jax.experimental.pallas import tpu as pltpu
from jax.experimental.pallas import tpu_sc as plsc

DIM = 1024
HALF = DIM // 2
COND = DIM * 4
BATCH = 4096
NUM_CLASSES = 1000
LOG_MAX_PERIOD = 9.210340371976184


_SC_INFO = plsc.get_sparse_core_info()
_NW = _SC_INFO.num_cores * _SC_INFO.num_subcores
_B_PER_W = BATCH // _NW
_CHUNK = 8
_NCHUNK = _B_PER_W // _CHUNK


@functools.partial(
    pl.kernel,
    mesh=plsc.VectorSubcoreMesh(core_axis_name="c", subcore_axis_name="s"),
    out_type=jax.ShapeDtypeStruct((BATCH, COND), jnp.float32),
    scratch_types=[
        pltpu.VMEM((_NCHUNK, _CHUNK), jnp.int32),
        pltpu.VMEM((_CHUNK, COND), jnp.float32),
        pltpu.VMEM((_CHUNK, COND), jnp.float32),
        pltpu.SemaphoreType.DMA,
        pltpu.SemaphoreType.DMA,
        pltpu.SemaphoreType.DMA,
        pltpu.SemaphoreType.DMA,
    ],
)
def _sc_gather(table_hbm, idx_hbm, out_hbm, idx_v, rows0, rows1,
               gsem0, gsem1, ssem0, ssem1):
    wid = lax.axis_index("s") * _SC_INFO.num_cores + lax.axis_index("c")
    base = wid * _B_PER_W
    rows = (rows0, rows1)
    gsem = (gsem0, gsem1)
    ssem = (ssem0, ssem1)
    pltpu.sync_copy(idx_hbm.at[wid], idx_v)
    gathers = [None] * _NCHUNK
    scatters = [None] * _NCHUNK
    gathers[0] = pltpu.async_copy(table_hbm.at[idx_v.at[0]], rows[0], gsem[0])
    for c in range(_NCHUNK):
        b = c & 1
        gathers[c].wait()
        scatters[c] = pltpu.async_copy(
            rows[b], out_hbm.at[pl.ds(base + c * _CHUNK, _CHUNK)], ssem[b]
        )
        if c + 1 < _NCHUNK:
            if c >= 1:
                scatters[c - 1].wait()
            gathers[c + 1] = pltpu.async_copy(
                table_hbm.at[idx_v.at[c + 1]], rows[1 - b], gsem[1 - b]
            )
    scatters[_NCHUNK - 2].wait()
    scatters[_NCHUNK - 1].wait()



_BB1 = 1024
_NB1 = BATCH // _BB1


_INV_2PI = 0.15915494309189535
_PI2_HI = 6.28125
_PI2_LO = 0.0019353071795864769
_S = (9.99984587e-01, -1.66632582e-01, 8.31238293e-03, -1.93161822e-04,
      2.17321007e-06)
_C = (9.99999443e-01, -4.99995580e-01, 4.16610316e-02, -1.38627433e-03,
      2.42531378e-05, -2.21936942e-07)


def _tc1_body(t_ref, w1_ref, b1_ref, h_ref, w1b_ref):
    @pl.when(pl.program_id(0) == 0)
    def _():
        w1b_ref[...] = w1_ref[...].astype(jnp.bfloat16)

    t = t_ref[...]
    half_iota = lax.broadcasted_iota(jnp.int32, (1, HALF), 1).astype(jnp.float32)
    freqs = jnp.exp(half_iota * (-LOG_MAX_PERIOD / HALF))
    args = t * freqs
    q = jnp.floor(args * _INV_2PI + 0.5)
    r = (args - q * _PI2_HI) - q * _PI2_LO
    r2 = r * r
    sinr = r * (_S[0] + r2 * (_S[1] + r2 * (_S[2] + r2 * (_S[3] + r2 * _S[4]))))
    cosr = _C[0] + r2 * (_C[1] + r2 * (_C[2] + r2 * (_C[3] + r2 * (_C[4] + r2 * _C[5]))))
    emb = jnp.concatenate([cosr, sinr], axis=1)
    h = jnp.dot(
        emb.astype(jnp.bfloat16),
        w1b_ref[...],
        preferred_element_type=jnp.float32,
    )
    h = h + b1_ref[...]
    h_ref[...] = (h * jax.nn.sigmoid(h)).astype(jnp.bfloat16)


def _tc_stage1(t2d, W1, b1):
    return pl.pallas_call(
        _tc1_body,
        grid=(_NB1,),
        in_specs=[
            pl.BlockSpec((_BB1, 1), lambda i: (i, 0)),
            pl.BlockSpec((DIM, COND), lambda i: (0, 0)),
            pl.BlockSpec((1, COND), lambda i: (0, 0)),
        ],
        out_specs=pl.BlockSpec((_BB1, COND), lambda i: (i, 0)),
        out_shape=jax.ShapeDtypeStruct((BATCH, COND), jnp.bfloat16),
        scratch_shapes=[pltpu.VMEM((DIM, COND), jnp.bfloat16)],
        compiler_params=pltpu.CompilerParams(
            vmem_limit_bytes=60 * 1024 * 1024,
        ),
    )(t2d, W1, b1)



_BB2 = 2048
_NB2 = BATCH // _BB2
_CB = 256
_NC = COND // _CB


def _tc2_body(h_ref, w2_ref, b2_ref, c_ref, out_ref):
    acc = jnp.dot(
        h_ref[...],
        w2_ref[...].astype(jnp.bfloat16),
        preferred_element_type=jnp.float32,
    )
    out_ref[...] = acc + b2_ref[...] + c_ref[...]


def _tc_stage2(h, W2, b2, c_emb):
    return pl.pallas_call(
        _tc2_body,
        grid=(_NB2, _NC),
        in_specs=[
            pl.BlockSpec((_BB2, COND), lambda i, j: (i, 0)),
            pl.BlockSpec((COND, _CB), lambda i, j: (0, j)),
            pl.BlockSpec((1, _CB), lambda i, j: (0, j)),
            pl.BlockSpec((_BB2, _CB), lambda i, j: (i, j)),
        ],
        out_specs=pl.BlockSpec((_BB2, _CB), lambda i, j: (i, j)),
        out_shape=jax.ShapeDtypeStruct((BATCH, COND), jnp.float32),
        compiler_params=pltpu.CompilerParams(
            vmem_limit_bytes=63 * 1024 * 1024,
        ),
    )(h, W2, b2, c_emb)


def kernel(timestep, class_label, W1, b1, W2, b2, class_table):
    c_emb = _sc_gather(
        class_table,
        class_label.astype(jnp.int32).reshape(_NW, _NCHUNK, _CHUNK),
    )
    h = _tc_stage1(
        timestep.reshape(BATCH, 1),
        W1,
        b1.reshape(1, COND),
    )
    return _tc_stage2(h, W2, b2.reshape(1, COND), c_emb)

# --- scband reference (transcript-rebuilt; emitter-appended) ---
"""Pipeline reference for scband-conditioner-timestep-and-class-12214886990800 (READ-ONLY COPY).

The authoritative reference and input builder live on the scoring server;
editing this copy changes nothing except your own understanding.
"""

import jax, jax.numpy as jnp
import numpy as np

DIM = 1024
COND_DIM = DIM * 4
NUM_CLASSES = 1000
BATCH = 4096


def timestep_embedding(t, dim, max_period=10000.0):
    half = dim // 2
    freqs = jnp.exp(-jnp.log(max_period) * jnp.arange(half, dtype=jnp.float32) / half)
    args = t.astype(jnp.float32)[:, None] * freqs[None, :]
    return jnp.concatenate([jnp.cos(args), jnp.sin(args)], axis=-1)


def setup_inputs(seed: int = 0) -> dict:
    key = jax.random.key(seed)
    k_t, k_c, k_w1, k_b1, k_w2, k_b2, k_tab = jax.random.split(key, 7)
    timestep = jax.random.uniform(k_t, (BATCH,), dtype=jnp.float32) * 1000.0
    class_label = jax.random.randint(k_c, (BATCH,), 0, NUM_CLASSES, dtype=jnp.int64 if jax.config.jax_enable_x64 else jnp.int32)
    s1 = 1.0 / np.sqrt(DIM)
    s2 = 1.0 / np.sqrt(COND_DIM)
    W1 = jax.random.uniform(k_w1, (DIM, COND_DIM), dtype=jnp.float32, minval=-s1, maxval=s1)
    b1 = jax.random.uniform(k_b1, (COND_DIM,), dtype=jnp.float32, minval=-s1, maxval=s1)
    W2 = jax.random.uniform(k_w2, (COND_DIM, COND_DIM), dtype=jnp.float32, minval=-s2, maxval=s2)
    b2 = jax.random.uniform(k_b2, (COND_DIM,), dtype=jnp.float32, minval=-s2, maxval=s2)
    class_table = jax.random.normal(k_tab, (NUM_CLASSES, COND_DIM), dtype=jnp.float32)
    return {"timestep": timestep, "class_label": class_label, "W1": W1, "b1": b1, "W2": W2, "b2": b2, "class_table": class_table}


def reference(timestep, class_label, W1, b1, W2, b2, class_table):
    # ConditionerTimestep: sinusoidal embedding of size DIM -> MLP(DIM -> 4*DIM -> 4*DIM) with SiLU
    emb = timestep_embedding(timestep, DIM)
    h = jnp.dot(emb, W1) + b1
    h = jax.nn.silu(h)
    t_emb = jnp.dot(h, W2) + b2
    # class embedding lookup
    c_emb = jnp.take(class_table, class_label, axis=0)
    return t_emb + c_emb


if False:  # reference __main__ guard neutralized (emitter)
    out = reference(**setup_inputs())
    print(out.shape, out.dtype)

if __name__ == "__main__":
    import jax
    _d = setup_inputs()
    print(jax.jit(kernel)(*tuple(_d.values())))

</pallas_src>

<mosaic_0001>
#map = affine_map<(d0, d1) -> (0, 0)>
#map1 = affine_map<(d0, d1) -> (0, 0, 0)>
module attributes {stable_mosaic.version = 14 : i64} {
  func.func @_sc_gather(%arg0: i32, %arg1: i32, %arg2: memref<1000x4096xf32, #tpu.memory_space<hbm>>, %arg3: memref<32x16x8xi32, #tpu.memory_space<hbm>>, %arg4: memref<4096x4096xf32, #tpu.memory_space<hbm>>, %arg5: memref<16x8xi32, #tpu.memory_space<vmem>>, %arg6: memref<8x4096xf32, #tpu.memory_space<vmem>>, %arg7: memref<8x4096xf32, #tpu.memory_space<vmem>>, %arg8: memref<!tpu.dma_semaphore, #tpu.memory_space<semaphore_mem>>, %arg9: memref<!tpu.dma_semaphore, #tpu.memory_space<semaphore_mem>>, %arg10: memref<!tpu.dma_semaphore, #tpu.memory_space<semaphore_mem>>, %arg11: memref<!tpu.dma_semaphore, #tpu.memory_space<semaphore_mem>>) attributes {dimension_semantics = [#tpu.dimension_semantics<core_parallel>, #tpu.dimension_semantics<subcore_parallel>], iteration_bounds = array<i64: 2, 16>, scalar_prefetch = 0 : i64, scratch_operands = 7 : i64, tpu.core_type = #tpu.core_type<sc_vector_subcore>, window_params = [{transform_indices = #map}, {transform_indices = #map1}, {transform_indices = #map}]} {
    %mul3A = arith.constant 2 : i32
    %mul3A_0 = arith.muli %arg1, %mul3A : i32
    %add3A = arith.addi %mul3A_0, %arg0 : i32
    %mul3A_1 = arith.constant 128 : i32
    %mul3A_2 = arith.muli %add3A, %mul3A_1 : i32
    "tpu.region"() ({
      %run_scoped3A = tpu.sem_alloc : memref<!tpu.dma_semaphore, #tpu.memory_space<semaphore_mem>>
      %dma_start3A_385 = arith.constant 0 : i32
      %dma_start3A_386 = arith.constant 0 : i32
      %dma_start3A_387 = tpu.memref_slice %arg3[%add3A, %dma_start3A_385, %dma_start3A_386] : memref<32x16x8xi32, #tpu.memory_space<hbm>> -> memref<1x16x8xi32, #tpu.memory_space<hbm>>
      %dma_start3A_388 = tpu.memref_squeeze %dma_start3A_387 : memref<1x16x8xi32, #tpu.memory_space<hbm>> -> memref<16x8xi32, #tpu.memory_space<hbm>>
      %dma_start3A_389 = arith.constant 0 : i32
      %dma_start3A_390 = arith.constant 0 : i32
      %dma_start3A_391 = tpu.memref_slice %arg3[%add3A, %dma_start3A_389, %dma_start3A_390] : memref<32x16x8xi32, #tpu.memory_space<hbm>> -> memref<1x16x8xi32, #tpu.memory_space<hbm>>
      %dma_start3A_392 = tpu.memref_squeeze %dma_start3A_391 : memref<1x16x8xi32, #tpu.memory_space<hbm>> -> memref<16x8xi32, #tpu.memory_space<hbm>>
      tpu.enqueue_dma source(%dma_start3A_392 : memref<16x8xi32, #tpu.memory_space<hbm>>) target(%arg5 : memref<16x8xi32, #tpu.memory_space<vmem>>) target_semaphore(%run_scoped3A : memref<!tpu.dma_semaphore, #tpu.memory_space<semaphore_mem>>)
      %dma_wait3A_393 = arith.constant 0 : i32
      %dma_wait3A_394 = arith.constant 0 : i32
      %dma_wait3A_395 = tpu.memref_slice %arg3[%add3A, %dma_wait3A_393, %dma_wait3A_394] : memref<32x16x8xi32, #tpu.memory_space<hbm>> -> memref<1x16x8xi32, #tpu.memory_space<hbm>>
      %dma_wait3A_396 = tpu.memref_squeeze %dma_wait3A_395 : memref<1x16x8xi32, #tpu.memory_space<hbm>> -> memref<16x8xi32, #tpu.memory_space<hbm>>
      %dma_wait3A_397 = arith.constant 0 : i32
      %dma_wait3A_398 = arith.constant 0 : i32
      %dma_wait3A_399 = tpu.memref_slice %arg3[%add3A, %dma_wait3A_397, %dma_wait3A_398] : memref<32x16x8xi32, #tpu.memory_space<hbm>> -> memref<1x16x8xi32, #tpu.memory_space<hbm>>
      %dma_wait3A_400 = tpu.memref_squeeze %dma_wait3A_399 : memref<1x16x8xi32, #tpu.memory_space<hbm>> -> memref<16x8xi32, #tpu.memory_space<hbm>>
      tpu.wait_dma2 semaphore(%run_scoped3A : memref<!tpu.dma_semaphore, #tpu.memory_space<semaphore_mem>>) src(%dma_wait3A_400 : memref<16x8xi32, #tpu.memory_space<hbm>>) dst(%arg5 : memref<16x8xi32, #tpu.memory_space<vmem>>)
      tpu.yield
    }) : () -> ()
    %dma_start3A = arith.constant 0 : i32
    %dma_start3A_3 = arith.constant 0 : i32
    %dma_start3A_4 = tpu.memref_slice %arg5[%dma_start3A, %dma_start3A_3] : memref<16x8xi32, #tpu.memory_space<vmem>> -> memref<1x8xi32, #tpu.memory_space<vmem>>
    %dma_start3A_5 = tpu.memref_squeeze %dma_start3A_4 : memref<1x8xi32, #tpu.memory_space<vmem>> -> memref<8xi32, #tpu.memory_space<vmem>>
    %dma_start3A_6 = arith.constant 0 : i32
    %dma_start3A_7 = arith.constant 0 : i32
    %dma_start3A_8 = tpu.memref_slice %arg2[%dma_start3A_6, %dma_start3A_7] : memref<1000x4096xf32, #tpu.memory_space<hbm>> -> memref<1000x4096xf32, #tpu.memory_space<hbm>>
    tpu.enqueue_indirect_dma source(%dma_start3A_8 : memref<1000x4096xf32, #tpu.memory_space<hbm>>) target(%arg6 : memref<8x4096xf32, #tpu.memory_space<vmem>>) offsets(%dma_start3A_5 : memref<8xi32, #tpu.memory_space<vmem>>) semaphore(%arg8 : memref<!tpu.dma_semaphore, #tpu.memory_space<semaphore_mem>>)
    %dma_wait3A = arith.constant 0 : i32
    %dma_wait3A_9 = arith.constant 0 : i32
    %dma_wait3A_10 = tpu.memref_slice %arg5[%dma_wait3A, %dma_wait3A_9] : memref<16x8xi32, #tpu.memory_space<vmem>> -> memref<1x8xi32, #tpu.memory_space<vmem>>
    %dma_wait3A_11 = tpu.memref_squeeze %dma_wait3A_10 : memref<1x8xi32, #tpu.memory_space<vmem>> -> memref<8xi32, #tpu.memory_space<vmem>>
    %dma_wait3A_12 = arith.constant 0 : i32
    %dma_wait3A_13 = arith.constant 0 : i32
    %dma_wait3A_14 = tpu.memref_slice %arg2[%dma_wait3A_12, %dma_wait3A_13] : memref<1000x4096xf32, #tpu.memory_space<hbm>> -> memref<1000x4096xf32, #tpu.memory_space<hbm>>
    tpu.wait_indirect_dma semaphore(%arg8 : memref<!tpu.dma_semaphore, #tpu.memory_space<semaphore_mem>>) src(%dma_wait3A_14 : memref<1000x4096xf32, #tpu.memory_space<hbm>>) dst(%arg6 : memref<8x4096xf32, #tpu.memory_space<vmem>>)
    %add3A_15 = arith.constant 0 : i32
    %add3A_16 = arith.addi %mul3A_2, %add3A_15 : i32
    %dma_start3A_17 = arith.constant 0 : i32
    %dma_start3A_18 = tpu.memref_slice %arg4[%add3A_16, %dma_start3A_17] : memref<4096x4096xf32, #tpu.memory_space<hbm>> -> memref<8x4096xf32, #tpu.memory_space<hbm>>
    %dma_start3A_19 = arith.constant 0 : i32
    %dma_start3A_20 = tpu.memref_slice %arg4[%add3A_16, %dma_start3A_19] : memref<4096x4096xf32, #tpu.memory_space<hbm>> -> memref<8x4096xf32, #tpu.memory_space<hbm>>
    tpu.enqueue_dma source(%arg6 : memref<8x4096xf32, #tpu.memory_space<vmem>>) target(%dma_start3A_20 : memref<8x4096xf32, #tpu.memory_space<hbm>>) target_semaphore(%arg10 : memref<!tpu.dma_semaphore, #tpu.memory_space<semaphore_mem>>)
    %dma_start3A_21 = arith.constant 1 : i32
    %dma_start3A_22 = arith.constant 0 : i32
    %dma_start3A_23 = tpu.memref_slice %arg5[%dma_start3A_21, %dma_start3A_22] : memref<16x8xi32, #tpu.memory_space<vmem>> -> memref<1x8xi32, #tpu.memory_space<vmem>>
    %dma_start3A_24 = tpu.memref_squeeze %dma_start3A_23 : memref<1x8xi32, #tpu.memory_space<vmem>> -> memref<8xi32, #tpu.memory_space<vmem>>
    %dma_start3A_25 = arith.constant 0 : i32
    %dma_start3A_26 = arith.constant 0 : i32
    %dma_start3A_27 = tpu.memref_slice %arg2[%dma_start3A_25, %dma_start3A_26] : memref<1000x4096xf32, #tpu.memory_space<hbm>> -> memref<1000x4096xf32, #tpu.memory_space<hbm>>
    tpu.enqueue_indirect_dma source(%dma_start3A_27 : memref<1000x4096xf32, #tpu.memory_space<hbm>>) target(%arg7 : memref<8x4096xf32, #tpu.memory_space<vmem>>) offsets(%dma_start3A_24 : memref<8xi32, #tpu.memory_space<vmem>>) semaphore(%arg9 : memref<!tpu.dma_semaphore, #tpu.memory_space<semaphore_mem>>)
    %dma_wait3A_28 = arith.constant 1 : i32
    %dma_wait3A_29 = arith.constant 0 : i32
    %dma_wait3A_30 = tpu.memref_slice %arg5[%dma_wait3A_28, %dma_wait3A_29] : memref<16x8xi32, #tpu.memory_space<vmem>> -> memref<1x8xi32, #tpu.memory_space<vmem>>
    %dma_wait3A_31 = tpu.memref_squeeze %dma_wait3A_30 : memref<1x8xi32, #tpu.memory_space<vmem>> -> memref<8xi32, #tpu.memory_space<vmem>>
    %dma_wait3A_32 = arith.constant 0 : i32
    %dma_wait3A_33 = arith.constant 0 : i32
    %dma_wait3A_34 = tpu.memref_slice %arg2[%dma_wait3A_32, %dma_wait3A_33] : memref<1000x4096xf32, #tpu.memory_space<hbm>> -> memref<1000x4096xf32, #tpu.memory_space<hbm>>
    tpu.wait_indirect_dma semaphore(%arg9 : memref<!tpu.dma_semaphore, #tpu.memory_space<semaphore_mem>>) src(%dma_wait3A_34 : memref<1000x4096xf32, #tpu.memory_space<hbm>>) dst(%arg7 : memref<8x4096xf32, #tpu.memory_space<vmem>>)
    %add3A_35 = arith.constant 8 : i32
    %add3A_36 = arith.addi %mul3A_2, %add3A_35 : i32
    %dma_start3A_37 = arith.constant 0 : i32
    %dma_start3A_38 = tpu.memref_slice %arg4[%add3A_36, %dma_start3A_37] : memref<4096x4096xf32, #tpu.memory_space<hbm>> -> memref<8x4096xf32, #tpu.memory_space<hbm>>
    %dma_start3A_39 = arith.constant 0 : i32
    %dma_start3A_40 = tpu.memref_slice %arg4[%add3A_36, %dma_start3A_39] : memref<4096x4096xf32, #tpu.memory_space<hbm>> -> memref<8x4096xf32, #tpu.memory_space<hbm>>
    tpu.enqueue_dma source(%arg7 : memref<8x4096xf32, #tpu.memory_space<vmem>>) target(%dma_start3A_40 : memref<8x4096xf32, #tpu.memory_space<hbm>>) target_semaphore(%arg11 : memref<!tpu.dma_semaphore, #tpu.memory_space<semaphore_mem>>)
    %dma_wait3A_41 = arith.constant 0 : i32
    %dma_wait3A_42 = tpu.memref_slice %arg4[%add3A_16, %dma_wait3A_41] : memref<4096x4096xf32, #tpu.memory_space<hbm>> -> memref<8x4096xf32, #tpu.memory_space<hbm>>
    %dma_wait3A_43 = arith.constant 0 : i32
    %dma_wait3A_44 = tpu.memref_slice %arg4[%add3A_16, %dma_wait3A_43] : memref<4096x4096xf32, #tpu.memory_space<hbm>> -> memref<8x4096xf32, #tpu.memory_space<hbm>>
    tpu.wait_dma2 semaphore(%arg10 : memref<!tpu.dma_semaphore, #tpu.memory_space<semaphore_mem>>) src(%arg6 : memref<8x4096xf32, #tpu.memory_space<vmem>>) dst(%dma_wait3A_44 : memref<8x4096xf32, #tpu.memory_space<hbm>>)
    %dma_start3A_45 = arith.constant 2 : i32
    %dma_start3A_46 = arith.constant 0 : i32
    %dma_start3A_47 = tpu.memref_slice %arg5[%dma_start3A_45, %dma_start3A_46] : memref<16x8xi32, #tpu.memory_space<vmem>> -> memref<1x8xi32, #tpu.memory_space<vmem>>
    %dma_start3A_48 = tpu.memref_squeeze %dma_start3A_47 : memref<1x8xi32, #tpu.memory_space<vmem>> -> memref<8xi32, #tpu.memory_space<vmem>>
    %dma_start3A_49 = arith.constant 0 : i32
    %dma_start3A_50 = arith.constant 0 : i32
    %dma_start3A_51 = tpu.memref_slice %arg2[%dma_start3A_49, %dma_start3A_50] : memref<1000x4096xf32, #tpu.memory_space<hbm>> -> memref<1000x4096xf32, #tpu.memory_space<hbm>>
    tpu.enqueue_indirect_dma source(%dma_start3A_51 : memref<1000x4096xf32, #tpu.memory_space<hbm>>) target(%arg6 : memref<8x4096xf32, #tpu.memory_space<vmem>>) offsets(%dma_start3A_48 : memref<8xi32, #tpu.memory_space<vmem>>) semaphore(%arg8 : memref<!tpu.dma_semaphore, #tpu.memory_space<semaphore_mem>>)
    %dma_wait3A_52 = arith.constant 2 : i32
    %dma_wait3A_53 = arith.constant 0 : i32
    %dma_wait3A_54 = tpu.memref_slice %arg5[%dma_wait3A_52, %dma_wait3A_53] : memref<16x8xi32, #tpu.memory_space<vmem>> -> memref<1x8xi32, #tpu.memory_space<vmem>>
    %dma_wait3A_55 = tpu.memref_squeeze %dma_wait3A_54 : memref<1x8xi32, #tpu.memory_space<vmem>> -> memref<8xi32, #tpu.memory_space<vmem>>
    %dma_wait3A_56 = arith.constant 0 : i32
    %dma_wait3A_57 = arith.constant 0 : i32
    %dma_wait3A_58 = tpu.memref_slice %arg2[%dma_wait3A_56, %dma_wait3A_57] : memref<1000x4096xf32, #tpu.memory_space<hbm>> -> memref<1000x4096xf32, #tpu.memory_space<hbm>>
    tpu.wait_indirect_dma semaphore(%arg8 : memref<!tpu.dma_semaphore, #tpu.memory_space<semaphore_mem>>) src(%dma_wait3A_58 : memref<1000x4096xf32, #tpu.memory_space<hbm>>) dst(%arg6 : memref<8x4096xf32, #tpu.memory_space<vmem>>)
    %add3A_59 = arith.constant 16 : i32
    %add3A_60 = arith.addi %mul3A_2, %add3A_59 : i32
    %dma_start3A_61 = arith.constant 0 : i32
    %dma_start3A_62 = tpu.memref_slice %arg4[%add3A_60, %dma_start3A_61] : memref<4096x4096xf32, #tpu.memory_space<hbm>> -> memref<8x4096xf32, #tpu.memory_space<hbm>>
    %dma_start3A_63 = arith.constant 0 : i32
    %dma_start3A_64 = tpu.memref_slice %arg4[%add3A_60, %dma_start3A_63] : memref<4096x4096xf32, #tpu.memory_space<hbm>> -> memref<8x4096xf32, #tpu.memory_space<hbm>>
    tpu.enqueue_dma source(%arg6 : memref<8x4096xf32, #tpu.memory_space<vmem>>) target(%dma_start3A_64 : memref<8x4096xf32, #tpu.memory_space<hbm>>) target_semaphore(%arg10 : memref<!tpu.dma_semaphore, #tpu.memory_space<semaphore_mem>>)
    %dma_wait3A_65 = arith.constant 0 : i32
    %dma_wait3A_66 = tpu.memref_slice %arg4[%add3A_36, %dma_wait3A_65] : memref<4096x4096xf32, #tpu.memory_space<hbm>> -> memref<8x4096xf32, #tpu.memory_space<hbm>>
    %dma_wait3A_67 = arith.constant 0 : i32
    %dma_wait3A_68 = tpu.memref_slice %arg4[%add3A_36, %dma_wait3A_67] : memref<4096x4096xf32, #tpu.memory_space<hbm>> -> memref<8x4096xf32, #tpu.memory_space<hbm>>
    tpu.wait_dma2 semaphore(%arg11 : memref<!tpu.dma_semaphore, #tpu.memory_space<semaphore_mem>>) src(%arg7 : memref<8x4096xf32, #tpu.memory_space<vmem>>) dst(%dma_wait3A_68 : memref<8x4096xf32, #tpu.memory_space<hbm>>)
    %dma_start3A_69 = arith.constant 3 : i32
    %dma_start3A_70 = arith.constant 0 : i32
    %dma_start3A_71 = tpu.memref_slice %arg5[%dma_start3A_69, %dma_start3A_70] : memref<16x8xi32, #tpu.memory_space<vmem>> -> memref<1x8xi32, #tpu.memory_space<vmem>>
    %dma_start3A_72 = tpu.memref_squeeze %dma_start3A_71 : memref<1x8xi32, #tpu.memory_space<vmem>> -> memref<8xi32, #tpu.memory_space<vmem>>
    %dma_start3A_73 = arith.constant 0 : i32
    %dma_start3A_74 = arith.constant 0 : i32
    %dma_start3A_75 = tpu.memref_slice %arg2[%dma_start3A_73, %dma_start3A_74] : memref<1000x4096xf32, #tpu.memory_space<hbm>> -> memref<1000x4096xf32, #tpu.memory_space<hbm>>
    tpu.enqueue_indirect_dma source(%dma_start3A_75 : memref<1000x4096xf32, #tpu.memory_space<hbm>>) target(%arg7 : memref<8x4096xf32, #tpu.memory_space<vmem>>) offsets(%dma_start3A_72 : memref<8xi32, #tpu.memory_space<vmem>>) semaphore(%arg9 : memref<!tpu.dma_semaphore, #tpu.memory_space<semaphore_mem>>)
    %dma_wait3A_76 = arith.constant 3 : i32
    %dma_wait3A_77 = arith.constant 0 : i32
    %dma_wait3A_78 = tpu.memref_slice %arg5[%dma_wait3A_76, %dma_wait3A_77] : memref<16x8xi32, #tpu.memory_space<vmem>> -> memref<1x8xi32, #tpu.memory_space<vmem>>
    %dma_wait3A_79 = tpu.memref_squeeze %dma_wait3A_78 : memref<1x8xi32, #tpu.memory_space<vmem>> -> memref<8xi32, #tpu.memory_space<vmem>>
    %dma_wait3A_80 = arith.constant 0 : i32
    %dma_wait3A_81 = arith.constant 0 : i32
    %dma_wait3A_82 = tpu.memref_slice %arg2[%dma_wait3A_80, %dma_wait3A_81] : memref<1000x4096xf32, #tpu.memory_space<hbm>> -> memref<1000x4096xf32, #tpu.memory_space<hbm>>
    tpu.wait_indirect_dma semaphore(%arg9 : memref<!tpu.dma_semaphore, #tpu.memory_space<semaphore_mem>>) src(%dma_wait3A_82 : memref<1000x4096xf32, #tpu.memory_space<hbm>>) dst(%arg7 : memref<8x4096xf32, #tpu.memory_space<vmem>>)
    %add3A_83 = arith.constant 24 : i32
    %add3A_84 = arith.addi %mul3A_2, %add3A_83 : i32
    %dma_start3A_85 = arith.constant 0 : i32
    %dma_start3A_86 = tpu.memref_slice %arg4[%add3A_84, %dma_start3A_85] : memref<4096x4096xf32, #tpu.memory_space<hbm>> -> memref<8x4096xf32, #tpu.memory_space<hbm>>
    %dma_start3A_87 = arith.constant 0 : i32
    %dma_start3A_88 = tpu.memref_slice %arg4[%add3A_84, %dma_start3A_87] : memref<4096x4096xf32, #tpu.memory_space<hbm>> -> memref<8x4096xf32, #tpu.memory_space<hbm>>
    tpu.enqueue_dma source(%arg7 : memref<8x4096xf32, #tpu.memory_space<vmem>>) target(%dma_start3A_88 : memref<8x4096xf32, #tpu.memory_space<hbm>>) target_semaphore(%arg11 : memref<!tpu.dma_semaphore, #tpu.memory_space<semaphore_mem>>)
    %dma_wait3A_89 = arith.constant 0 : i32
    %dma_wait3A_90 = tpu.memref_slice %arg4[%add3A_60, %dma_wait3A_89] : memref<4096x4096xf32, #tpu.memory_space<hbm>> -> memref<8x4096xf32, #tpu.memory_space<hbm>>
    %dma_wait3A_91 = arith.constant 0 : i32
    %dma_wait3A_92 = tpu.memref_slice %arg4[%add3A_60, %dma_wait3A_91] : memref<4096x4096xf32, #tpu.memory_space<hbm>> -> memref<8x4096xf32, #tpu.memory_space<hbm>>
    tpu.wait_dma2 semaphore(%arg10 : memref<!tpu.dma_semaphore, #tpu.memory_space<semaphore_mem>>) src(%arg6 : memref<8x4096xf32, #tpu.memory_space<vmem>>) dst(%dma_wait3A_92 : memref<8x4096xf32, #tpu.memory_space<hbm>>)
    %dma_start3A_93 = arith.constant 4 : i32
    %dma_start3A_94 = arith.constant 0 : i32
    %dma_start3A_95 = tpu.memref_slice %arg5[%dma_start3A_93, %dma_start3A_94] : memref<16x8xi32, #tpu.memory_space<vmem>> -> memref<1x8xi32, #tpu.memory_space<vmem>>
    %dma_start3A_96 = tpu.memref_squeeze %dma_start3A_95 : memref<1x8xi32, #tpu.memory_space<vmem>> -> memref<8xi32, #tpu.memory_space<vmem>>
    %dma_start3A_97 = arith.constant 0 : i32
    %dma_start3A_98 = arith.constant 0 : i32
    %dma_start3A_99 = tpu.memref_slice %arg2[%dma_start3A_97, %dma_start3A_98] : memref<1000x4096xf32, #tpu.memory_space<hbm>> -> memref<1000x4096xf32, #tpu.memory_space<hbm>>
    tpu.enqueue_indirect_dma source(%dma_start3A_99 : memref<1000x4096xf32, #tpu.memory_space<hbm>>) target(%arg6 : memref<8x4096xf32, #tpu.memory_space<vmem>>) offsets(%dma_start3A_96 : memref<8xi32, #tpu.memory_space<vmem>>) semaphore(%arg8 : memref<!tpu.dma_semaphore, #tpu.memory_space<semaphore_mem>>)
    %dma_wait3A_100 = arith.constant 4 : i32
    %dma_wait3A_101 = arith.constant 0 : i32
    %dma_wait3A_102 = tpu.memref_slice %arg5[%dma_wait3A_100, %dma_wait3A_101] : memref<16x8xi32, #tpu.memory_space<vmem>> -> memref<1x8xi32, #tpu.memory_space<vmem>>
    %dma_wait3A_103 = tpu.memref_squeeze %dma_wait3A_102 : memref<1x8xi32, #tpu.memory_space<vmem>> -> memref<8xi32, #tpu.memory_space<vmem>>
    %dma_wait3A_104 = arith.constant 0 : i32
    %dma_wait3A_105 = arith.constant 0 : i32
    %dma_wait3A_106 = tpu.memref_slice %arg2[%dma_wait3A_104, %dma_wait3A_105] : memref<1000x4096xf32, #tpu.memory_space<hbm>> -> memref<1000x4096xf32, #tpu.memory_space<hbm>>
    tpu.wait_indirect_dma semaphore(%arg8 : memref<!tpu.dma_semaphore, #tpu.memory_space<semaphore_mem>>) src(%dma_wait3A_106 : memref<1000x4096xf32, #tpu.memory_space<hbm>>) dst(%arg6 : memref<8x4096xf32, #tpu.memory_space<vmem>>)
    %add3A_107 = arith.constant 32 : i32
    %add3A_108 = arith.addi %mul3A_2, %add3A_107 : i32
    %dma_start3A_109 = arith.constant 0 : i32
    %dma_start3A_110 = tpu.memref_slice %arg4[%add3A_108, %dma_start3A_109] : memref<4096x4096xf32, #tpu.memory_space<hbm>> -> memref<8x4096xf32, #tpu.memory_space<hbm>>
    %dma_start3A_111 = arith.constant 0 : i32
    %dma_start3A_112 = tpu.memref_slice %arg4[%add3A_108, %dma_start3A_111] : memref<4096x4096xf32, #tpu.memory_space<hbm>> -> memref<8x4096xf32, #tpu.memory_space<hbm>>
    tpu.enqueue_dma source(%arg6 : memref<8x4096xf32, #tpu.memory_space<vmem>>) target(%dma_start3A_112 : memref<8x4096xf32, #tpu.memory_space<hbm>>) target_semaphore(%arg10 : memref<!tpu.dma_semaphore, #tpu.memory_space<semaphore_mem>>)
    %dma_wait3A_113 = arith.constant 0 : i32
    %dma_wait3A_114 = tpu.memref_slice %arg4[%add3A_84, %dma_wait3A_113] : memref<4096x4096xf32, #tpu.memory_space<hbm>> -> memref<8x4096xf32, #tpu.memory_space<hbm>>
    %dma_wait3A_115 = arith.constant 0 : i32
    %dma_wait3A_116 = tpu.memref_slice %arg4[%add3A_84, %dma_wait3A_115] : memref<4096x4096xf32, #tpu.memory_space<hbm>> -> memref<8x4096xf32, #tpu.memory_space<hbm>>
    tpu.wait_dma2 semaphore(%arg11 : memref<!tpu.dma_semaphore, #tpu.memory_space<semaphore_mem>>) src(%arg7 : memref<8x4096xf32, #tpu.memory_space<vmem>>) dst(%dma_wait3A_116 : memref<8x4096xf32, #tpu.memory_space<hbm>>)
    %dma_start3A_117 = arith.constant 5 : i32
    %dma_start3A_118 = arith.constant 0 : i32
    %dma_start3A_119 = tpu.memref_slice %arg5[%dma_start3A_117, %dma_start3A_118] : memref<16x8xi32, #tpu.memory_space<vmem>> -> memref<1x8xi32, #tpu.memory_space<vmem>>
    %dma_start3A_120 = tpu.memref_squeeze %dma_start3A_119 : memref<1x8xi32, #tpu.memory_space<vmem>> -> memref<8xi32, #tpu.memory_space<vmem>>
    %dma_start3A_121 = arith.constant 0 : i32
    %dma_start3A_122 = arith.constant 0 : i32
    %dma_start3A_123 = tpu.memref_slice %arg2[%dma_start3A_121, %dma_start3A_122] : memref<1000x4096xf32, #tpu.memory_space<hbm>> -> memref<1000x4096xf32, #tpu.memory_space<hbm>>
    tpu.enqueue_indirect_dma source(%dma_start3A_123 : memref<1000x4096xf32, #tpu.memory_space<hbm>>) target(%arg7 : memref<8x4096xf32, #tpu.memory_space<vmem>>) offsets(%dma_start3A_120 : memref<8xi32, #tpu.memory_space<vmem>>) semaphore(%arg9 : memref<!tpu.dma_semaphore, #tpu.memory_space<semaphore_mem>>)
    %dma_wait3A_124 = arith.constant 5 : i32
    %dma_wait3A_125 = arith.constant 0 : i32
    %dma_wait3A_126 = tpu.memref_slice %arg5[%dma_wait3A_124, %dma_wait3A_125] : memref<16x8xi32, #tpu.memory_space<vmem>> -> memref<1x8xi32, #tpu.memory_space<vmem>>
    %dma_wait3A_127 = tpu.memref_squeeze %dma_wait3A_126 : memref<1x8xi32, #tpu.memory_space<vmem>> -> memref<8xi32, #tpu.memory_space<vmem>>
    %dma_wait3A_128 = arith.constant 0 : i32
    %dma_wait3A_129 = arith.constant 0 : i32
    %dma_wait3A_130 = tpu.memref_slice %arg2[%dma_wait3A_128, %dma_wait3A_129] : memref<1000x4096xf32, #tpu.memory_space<hbm>> -> memref<1000x4096xf32, #tpu.memory_space<hbm>>
    tpu.wait_indirect_dma semaphore(%arg9 : memref<!tpu.dma_semaphore, #tpu.memory_space<semaphore_mem>>) src(%dma_wait3A_130 : memref<1000x4096xf32, #tpu.memory_space<hbm>>) dst(%arg7 : memref<8x4096xf32, #tpu.memory_space<vmem>>)
    %add3A_131 = arith.constant 40 : i32
    %add3A_132 = arith.addi %mul3A_2, %add3A_131 : i32
    %dma_start3A_133 = arith.constant 0 : i32
    %dma_start3A_134 = tpu.memref_slice %arg4[%add3A_132, %dma_start3A_133] : memref<4096x4096xf32, #tpu.memory_space<hbm>> -> memref<8x4096xf32, #tpu.memory_space<hbm>>
    %dma_start3A_135 = arith.constant 0 : i32
    %dma_start3A_136 = tpu.memref_slice %arg4[%add3A_132, %dma_start3A_135] : memref<4096x4096xf32, #tpu.memory_space<hbm>> -> memref<8x4096xf32, #tpu.memory_space<hbm>>
    tpu.enqueue_dma source(%arg7 : memref<8x4096xf32, #tpu.memory_space<vmem>>) target(%dma_start3A_136 : memref<8x4096xf32, #tpu.memory_space<hbm>>) target_semaphore(%arg11 : memref<!tpu.dma_semaphore, #tpu.memory_space<semaphore_mem>>)
    %dma_wait3A_137 = arith.constant 0 : i32
    %dma_wait3A_138 = tpu.memref_slice %arg4[%add3A_108, %dma_wait3A_137] : memref<4096x4096xf32, #tpu.memory_space<hbm>> -> memref<8x4096xf32, #tpu.memory_space<hbm>>
    %dma_wait3A_139 = arith.constant 0 : i32
    %dma_wait3A_140 = tpu.memref_slice %arg4[%add3A_108, %dma_wait3A_139] : memref<4096x4096xf32, #tpu.memory_space<hbm>> -> memref<8x4096xf32, #tpu.memory_space<hbm>>
    tpu.wait_dma2 semaphore(%arg10 : memref<!tpu.dma_semaphore, #tpu.memory_space<semaphore_mem>>) src(%arg6 : memref<8x4096xf32, #tpu.memory_space<vmem>>) dst(%dma_wait3A_140 : memref<8x4096xf32, #tpu.memory_space<hbm>>)
    %dma_start3A_141 = arith.constant 6 : i32
    %dma_start3A_142 = arith.constant 0 : i32
    %dma_start3A_143 = tpu.memref_slice %arg5[%dma_start3A_141, %dma_start3A_142] : memref<16x8xi32, #tpu.memory_space<vmem>> -> memref<1x8xi32, #tpu.memory_space<vmem>>
    %dma_start3A_144 = tpu.memref_squeeze %dma_start3A_143 : memref<1x8xi32, #tpu.memory_space<vmem>> -> memref<8xi32, #tpu.memory_space<vmem>>
    %dma_start3A_145 = arith.constant 0 : i32
    %dma_start3A_146 = arith.constant 0 : i32
    %dma_start3A_147 = tpu.memref_slice %arg2[%dma_start3A_145, %dma_start3A_146] : memref<1000x4096xf32, #tpu.memory_space<hbm>> -> memref<1000x4096xf32, #tpu.memory_space<hbm>>
    tpu.enqueue_indirect_dma source(%dma_start3A_147 : memref<1000x4096xf32, #tpu.memory_space<hbm>>) target(%arg6 : memref<8x4096xf32, #tpu.memory_space<vmem>>) offsets(%dma_start3A_144 : memref<8xi32, #tpu.memory_space<vmem>>) semaphore(%arg8 : memref<!tpu.dma_semaphore, #tpu.memory_space<semaphore_mem>>)
    %dma_wait3A_148 = arith.constant 6 : i32
    %dma_wait3A_149 = arith.constant 0 : i32
    %dma_wait3A_150 = tpu.memref_slice %arg5[%dma_wait3A_148, %dma_wait3A_149] : memref<16x8xi32, #tpu.memory_space<vmem>> -> memref<1x8xi32, #tpu.memory_space<vmem>>
    %dma_wait3A_151 = tpu.memref_squeeze %dma_wait3A_150 : memref<1x8xi32, #tpu.memory_space<vmem>> -> memref<8xi32, #tpu.memory_space<vmem>>
    %dma_wait3A_152 = arith.constant 0 : i32
    %dma_wait3A_153 = arith.constant 0 : i32
    %dma_wait3A_154 = tpu.memref_slice %arg2[%dma_wait3A_152, %dma_wait3A_153] : memref<1000x4096xf32, #tpu.memory_space<hbm>> -> memref<1000x4096xf32, #tpu.memory_space<hbm>>
    tpu.wait_indirect_dma semaphore(%arg8 : memref<!tpu.dma_semaphore, #tpu.memory_space<semaphore_mem>>) src(%dma_wait3A_154 : memref<1000x4096xf32, #tpu.memory_space<hbm>>) dst(%arg6 : memref<8x4096xf32, #tpu.memory_space<vmem>>)
    %add3A_155 = arith.constant 48 : i32
    %add3A_156 = arith.addi %mul3A_2, %add3A_155 : i32
    %dma_start3A_157 = arith.constant 0 : i32
    %dma_start3A_158 = tpu.memref_slice %arg4[%add3A_156, %dma_start3A_157] : memref<4096x4096xf32, #tpu.memory_space<hbm>> -> memref<8x4096xf32, #tpu.memory_space<hbm>>
    %dma_start3A_159 = arith.constant 0 : i32
    %dma_start3A_160 = tpu.memref_slice %arg4[%add3A_156, %dma_start3A_159] : memref<4096x4096xf32, #tpu.memory_space<hbm>> -> memref<8x4096xf32, #tpu.memory_space<hbm>>
    tpu.enqueue_dma source(%arg6 : memref<8x4096xf32, #tpu.memory_space<vmem>>) target(%dma_start3A_160 : memref<8x4096xf32, #tpu.memory_space<hbm>>) target_semaphore(%arg10 : memref<!tpu.dma_semaphore, #tpu.memory_space<semaphore_mem>>)
    %dma_wait3A_161 = arith.constant 0 : i32
    %dma_wait3A_162 = tpu.memref_slice %arg4[%add3A_132, %dma_wait3A_161] : memref<4096x4096xf32, #tpu.memory_space<hbm>> -> memref<8x4096xf32, #tpu.memory_space<hbm>>
    %dma_wait3A_163 = arith.constant 0 : i32
    %dma_wait3A_164 = tpu.memref_slice %arg4[%add3A_132, %dma_wait3A_163] : memref<4096x4096xf32, #tpu.memory_space<hbm>> -> memref<8x4096xf32, #tpu.memory_space<hbm>>
    tpu.wait_dma2 semaphore(%arg11 : memref<!tpu.dma_semaphore, #tpu.memory_space<semaphore_mem>>) src(%arg7 : memref<8x4096xf32, #tpu.memory_space<vmem>>) dst(%dma_wait3A_164 : memref<8x4096xf32, #tpu.memory_space<hbm>>)
    %dma_start3A_165 = arith.constant 7 : i32
    %dma_start3A_166 = arith.constant 0 : i32
    %dma_start3A_167 = tpu.memref_slice %arg5[%dma_start3A_165, %dma_start3A_166] : memref<16x8xi32, #tpu.memory_space<vmem>> -> memref<1x8xi32, #tpu.memory_space<vmem>>
    %dma_start3A_168 = tpu.memref_squeeze %dma_start3A_167 : memref<1x8xi32, #tpu.memory_space<vmem>> -> memref<8xi32, #tpu.memory_space<vmem>>
    %dma_start3A_169 = arith.constant 0 : i32
    %dma_start3A_170 = arith.constant 0 : i32
    %dma_start3A_171 = tpu.memref_slice %arg2[%dma_start3A_169, %dma_start3A_170] : memref<1000x4096xf32, #tpu.memory_space<hbm>> -> memref<1000x4096xf32, #tpu.memory_space<hbm>>
    tpu.enqueue_indirect_dma source(%dma_start3A_171 : memref<1000x4096xf32, #tpu.memory_space<hbm>>) target(%arg7 : memref<8x4096xf32, #tpu.memory_space<vmem>>) offsets(%dma_start3A_168 : memref<8xi32, #tpu.memory_space<vmem>>) semaphore(%arg9 : memref<!tpu.dma_semaphore, #tpu.memory_space<semaphore_mem>>)
    %dma_wait3A_172 = arith.constant 7 : i32
    %dma_wait3A_173 = arith.constant 0 : i32
    %dma_wait3A_174 = tpu.memref_slice %arg5[%dma_wait3A_172, %dma_wait3A_173] : memref<16x8xi32, #tpu.memory_space<vmem>> -> memref<1x8xi32, #tpu.memory_space<vmem>>
    %dma_wait3A_175 = tpu.memref_squeeze %dma_wait3A_174 : memref<1x8xi32, #tpu.memory_space<vmem>> -> memref<8xi32, #tpu.memory_space<vmem>>
    %dma_wait3A_176 = arith.constant 0 : i32
    %dma_wait3A_177 = arith.constant 0 : i32
    %dma_wait3A_178 = tpu.memref_slice %arg2[%dma_wait3A_176, %dma_wait3A_177] : memref<1000x4096xf32, #tpu.memory_space<hbm>> -> memref<1000x4096xf32, #tpu.memory_space<hbm>>
    tpu.wait_indirect_dma semaphore(%arg9 : memref<!tpu.dma_semaphore, #tpu.memory_space<semaphore_mem>>) src(%dma_wait3A_178 : memref<1000x4096xf32, #tpu.memory_space<hbm>>) dst(%arg7 : memref<8x4096xf32, #tpu.memory_space<vmem>>)
    %add3A_179 = arith.constant 56 : i32
    %add3A_180 = arith.addi %mul3A_2, %add3A_179 : i32
    %dma_start3A_181 = arith.constant 0 : i32
    %dma_start3A_182 = tpu.memref_slice %arg4[%add3A_180, %dma_start3A_181] : memref<4096x4096xf32, #tpu.memory_space<hbm>> -> memref<8x4096xf32, #tpu.memory_space<hbm>>
    %dma_start3A_183 = arith.constant 0 : i32
    %dma_start3A_184 = tpu.memref_slice %arg4[%add3A_180, %dma_start3A_183] : memref<4096x4096xf32, #tpu.memory_space<hbm>> -> memref<8x4096xf32, #tpu.memory_space<hbm>>
    tpu.enqueue_dma source(%arg7 : memref<8x4096xf32, #tpu.memory_space<vmem>>) target(%dma_start3A_184 : memref<8x4096xf32, #tpu.memory_space<hbm>>) target_semaphore(%arg11 : memref<!tpu.dma_semaphore, #tpu.memory_space<semaphore_mem>>)
    %dma_wait3A_185 = arith.constant 0 : i32
    %dma_wait3A_186 = tpu.memref_slice %arg4[%add3A_156, %dma_wait3A_185] : memref<4096x4096xf32, #tpu.memory_space<hbm>> -> memref<8x4096xf32, #tpu.memory_space<hbm>>
    %dma_wait3A_187 = arith.constant 0 : i32
    %dma_wait3A_188 = tpu.memref_slice %arg4[%add3A_156, %dma_wait3A_187] : memref<4096x4096xf32, #tpu.memory_space<hbm>> -> memref<8x4096xf32, #tpu.memory_space<hbm>>
    tpu.wait_dma2 semaphore(%arg10 : memref<!tpu.dma_semaphore, #tpu.memory_space<semaphore_mem>>) src(%arg6 : memref<8x4096xf32, #tpu.memory_space<vmem>>) dst(%dma_wait3A_188 : memref<8x4096xf32, #tpu.memory_space<hbm>>)
    %dma_start3A_189 = arith.constant 8 : i32
    %dma_start3A_190 = arith.constant 0 : i32
    %dma_start3A_191 = tpu.memref_slice %arg5[%dma_start3A_189, %dma_start3A_190] : memref<16x8xi32, #tpu.memory_space<vmem>> -> memref<1x8xi32, #tpu.memory_space<vmem>>
    %dma_start3A_192 = tpu.memref_squeeze %dma_start3A_191 : memref<1x8xi32, #tpu.memory_space<vmem>> -> memref<8xi32, #tpu.memory_space<vmem>>
    %dma_start3A_193 = arith.constant 0 : i32
    %dma_start3A_194 = arith.constant 0 : i32
    %dma_start3A_195 = tpu.memref_slice %arg2[%dma_start3A_193, %dma_start3A_194] : memref<1000x4096xf32, #tpu.memory_space<hbm>> -> memref<1000x4096xf32, #tpu.memory_space<hbm>>
    tpu.enqueue_indirect_dma source(%dma_start3A_195 : memref<1000x4096xf32, #tpu.memory_space<hbm>>) target(%arg6 : memref<8x4096xf32, #tpu.memory_space<vmem>>) offsets(%dma_start3A_192 : memref<8xi32, #tpu.memory_space<vmem>>) semaphore(%arg8 : memref<!tpu.dma_semaphore, #tpu.memory_space<semaphore_mem>>)
    %dma_wait3A_196 = arith.constant 8 : i32
    %dma_wait3A_197 = arith.constant 0 : i32
    %dma_wait3A_198 = tpu.memref_slice %arg5[%dma_wait3A_196, %dma_wait3A_197] : memref<16x8xi32, #tpu.memory_space<vmem>> -> memref<1x8xi32, #tpu.memory_space<vmem>>
    %dma_wait3A_199 = tpu.memref_squeeze %dma_wait3A_198 : memref<1x8xi32, #tpu.memory_space<vmem>> -> memref<8xi32, #tpu.memory_space<vmem>>
    %dma_wait3A_200 = arith.constant 0 : i32
    %dma_wait3A_201 = arith.constant 0 : i32
    %dma_wait3A_202 = tpu.memref_slice %arg2[%dma_wait3A_200, %dma_wait3A_201] : memref<1000x4096xf32, #tpu.memory_space<hbm>> -> memref<1000x4096xf32, #tpu.memory_space<hbm>>
    tpu.wait_indirect_dma semaphore(%arg8 : memref<!tpu.dma_semaphore, #tpu.memory_space<semaphore_mem>>) src(%dma_wait3A_202 : memref<1000x4096xf32, #tpu.memory_space<hbm>>) dst(%arg6 : memref<8x4096xf32, #tpu.memory_space<vmem>>)
    %add3A_203 = arith.constant 64 : i32
    %add3A_204 = arith.addi %mul3A_2, %add3A_203 : i32
    %dma_start3A_205 = arith.constant 0 : i32
    %dma_start3A_206 = tpu.memref_slice %arg4[%add3A_204, %dma_start3A_205] : memref<4096x4096xf32, #tpu.memory_space<hbm>> -> memref<8x4096xf32, #tpu.memory_space<hbm>>
    %dma_start3A_207 = arith.constant 0 : i32
    %dma_start3A_208 = tpu.memref_slice %arg4[%add3A_204, %dma_start3A_207] : memref<4096x4096xf32, #tpu.memory_space<hbm>> -> memref<8x4096xf32, #tpu.memory_space<hbm>>
    tpu.enqueue_dma source(%arg6 : memref<8x4096xf32, #tpu.memory_space<vmem>>) target(%dma_start3A_208 : memref<8x4096xf32, #tpu.memory_space<hbm>>) target_semaphore(%arg10 : memref<!tpu.dma_semaphore, #tpu.memory_space<semaphore_mem>>)
    %dma_wait3A_209 = arith.constant 0 : i32
    %dma_wait3A_210 = tpu.memref_slice %arg4[%add3A_180, %dma_wait3A_209] : memref<4096x4096xf32, #tpu.memory_space<hbm>> -> memref<8x4096xf32, #tpu.memory_space<hbm>>
    %dma_wait3A_211 = arith.constant 0 : i32
    %dma_wait3A_212 = tpu.memref_slice %arg4[%add3A_180, %dma_wait3A_211] : memref<4096x4096xf32, #tpu.memory_space<hbm>> -> memref<8x4096xf32, #tpu.memory_space<hbm>>
    tpu.wait_dma2 semaphore(%arg11 : memref<!tpu.dma_semaphore, #tpu.memory_space<semaphore_mem>>) src(%arg7 : memref<8x4096xf32, #tpu.memory_space<vmem>>) dst(%dma_wait3A_212 : memref<8x4096xf32, #tpu.memory_space<hbm>>)
    %dma_start3A_213 = arith.constant 9 : i32
    %dma_start3A_214 = arith.constant 0 : i32
    %dma_start3A_215 = tpu.memref_slice %arg5[%dma_start3A_213, %dma_start3A_214] : memref<16x8xi32, #tpu.memory_space<vmem>> -> memref<1x8xi32, #tpu.memory_space<vmem>>
    %dma_start3A_216 = tpu.memref_squeeze %dma_start3A_215 : memref<1x8xi32, #tpu.memory_space<vmem>> -> memref<8xi32, #tpu.memory_space<vmem>>
    %dma_start3A_217 = arith.constant 0 : i32
    %dma_start3A_218 = arith.constant 0 : i32
    %dma_start3A_219 = tpu.memref_slice %arg2[%dma_start3A_217, %dma_start3A_218] : memref<1000x4096xf32, #tpu.memory_space<hbm>> -> memref<1000x4096xf32, #tpu.memory_space<hbm>>
    tpu.enqueue_indirect_dma source(%dma_start3A_219 : memref<1000x4096xf32, #tpu.memory_space<hbm>>) target(%arg7 : memref<8x4096xf32, #tpu.memory_space<vmem>>) offsets(%dma_start3A_216 : memref<8xi32, #tpu.memory_space<vmem>>) semaphore(%arg9 : memref<!tpu.dma_semaphore, #tpu.memory_space<semaphore_mem>>)
    %dma_wait3A_220 = arith.constant 9 : i32
    %dma_wait3A_221 = arith.constant 0 : i32
    %dma_wait3A_222 = tpu.memref_slice %arg5[%dma_wait3A_220, %dma_wait3A_221] : memref<16x8xi32, #tpu.memory_space<vmem>> -> memref<1x8xi32, #tpu.memory_space<vmem>>
    %dma_wait3A_223 = tpu.memref_squeeze %dma_wait3A_222 : memref<1x8xi32, #tpu.memory_space<vmem>> -> memref<8xi32, #tpu.memory_space<vmem>>
    %dma_wait3A_224 = arith.constant 0 : i32
    %dma_wait3A_225 = arith.constant 0 : i32
    %dma_wait3A_226 = tpu.memref_slice %arg2[%dma_wait3A_224, %dma_wait3A_225] : memref<1000x4096xf32, #tpu.memory_space<hbm>> -> memref<1000x4096xf32, #tpu.memory_space<hbm>>
    tpu.wait_indirect_dma semaphore(%arg9 : memref<!tpu.dma_semaphore, #tpu.memory_space<semaphore_mem>>) src(%dma_wait3A_226 : memref<1000x4096xf32, #tpu.memory_space<hbm>>) dst(%arg7 : memref<8x4096xf32, #tpu.memory_space<vmem>>)
    %add3A_227 = arith.constant 72 : i32
    %add3A_228 = arith.addi %mul3A_2, %add3A_227 : i32
    %dma_start3A_229 = arith.constant 0 : i32
    %dma_start3A_230 = tpu.memref_slice %arg4[%add3A_228, %dma_start3A_229] : memref<4096x4096xf32, #tpu.memory_space<hbm>> -> memref<8x4096xf32, #tpu.memory_space<hbm>>
    %dma_start3A_231 = arith.constant 0 : i32
    %dma_start3A_232 = tpu.memref_slice %arg4[%add3A_228, %dma_start3A_231] : memref<4096x4096xf32, #tpu.memory_space<hbm>> -> memref<8x4096xf32, #tpu.memory_space<hbm>>
    tpu.enqueue_dma source(%arg7 : memref<8x4096xf32, #tpu.memory_space<vmem>>) target(%dma_start3A_232 : memref<8x4096xf32, #tpu.memory_space<hbm>>) target_semaphore(%arg11 : memref<!tpu.dma_semaphore, #tpu.memory_space<semaphore_mem>>)
    %dma_wait3A_233 = arith.constant 0 : i32
    %dma_wait3A_234 = tpu.memref_slice %arg4[%add3A_204, %dma_wait3A_233] : memref<4096x4096xf32, #tpu.memory_space<hbm>> -> memref<8x4096xf32, #tpu.memory_space<hbm>>
    %dma_wait3A_235 = arith.constant 0 : i32
    %dma_wait3A_236 = tpu.memref_slice %arg4[%add3A_204, %dma_wait3A_235] : memref<4096x4096xf32, #tpu.memory_space<hbm>> -> memref<8x4096xf32, #tpu.memory_space<hbm>>
    tpu.wait_dma2 semaphore(%arg10 : memref<!tpu.dma_semaphore, #tpu.memory_space<semaphore_mem>>) src(%arg6 : memref<8x4096xf32, #tpu.memory_space<vmem>>) dst(%dma_wait3A_236 : memref<8x4096xf32, #tpu.memory_space<hbm>>)
    %dma_start3A_237 = arith.constant 10 : i32
    %dma_start3A_238 = arith.constant 0 : i32
    %dma_start3A_239 = tpu.memref_slice %arg5[%dma_start3A_237, %dma_start3A_238] : memref<16x8xi32, #tpu.memory_space<vmem>> -> memref<1x8xi32, #tpu.memory_space<vmem>>
    %dma_start3A_240 = tpu.memref_squeeze %dma_start3A_239 : memref<1x8xi32, #tpu.memory_space<vmem>> -> memref<8xi32, #tpu.memory_space<vmem>>
    %dma_start3A_241 = arith.constant 0 : i32
    %dma_start3A_242 = arith.constant 0 : i32
    %dma_start3A_243 = tpu.memref_slice %arg2[%dma_start3A_241, %dma_start3A_242] : memref<1000x4096xf32, #tpu.memory_space<hbm>> -> memref<1000x4096xf32, #tpu.memory_space<hbm>>
    tpu.enqueue_indirect_dma source(%dma_start3A_243 : memref<1000x4096xf32, #tpu.memory_space<hbm>>) target(%arg6 : memref<8x4096xf32, #tpu.memory_space<vmem>>) offsets(%dma_start3A_240 : memref<8xi32, #tpu.memory_space<vmem>>) semaphore(%arg8 : memref<!tpu.dma_semaphore, #tpu.memory_space<semaphore_mem>>)
    %dma_wait3A_244 = arith.constant 10 : i32
    %dma_wait3A_245 = arith.constant 0 : i32
    %dma_wait3A_246 = tpu.memref_slice %arg5[%dma_wait3A_244, %dma_wait3A_245] : memref<16x8xi32, #tpu.memory_space<vmem>> -> memref<1x8xi32, #tpu.memory_space<vmem>>
    %dma_wait3A_247 = tpu.memref_squeeze %dma_wait3A_246 : memref<1x8xi32, #tpu.memory_space<vmem>> -> memref<8xi32, #tpu.memory_space<vmem>>
    %dma_wait3A_248 = arith.constant 0 : i32
    %dma_wait3A_249 = arith.constant 0 : i32
    %dma_wait3A_250 = tpu.memref_slice %arg2[%dma_wait3A_248, %dma_wait3A_249] : memref<1000x4096xf32, #tpu.memory_space<hbm>> -> memref<1000x4096xf32, #tpu.memory_space<hbm>>
    tpu.wait_indirect_dma semaphore(%arg8 : memref<!tpu.dma_semaphore, #tpu.memory_space<semaphore_mem>>) src(%dma_wait3A_250 : memref<1000x4096xf32, #tpu.memory_space<hbm>>) dst(%arg6 : memref<8x4096xf32, #tpu.memory_space<vmem>>)
    %add3A_251 = arith.constant 80 : i32
    %add3A_252 = arith.addi %mul3A_2, %add3A_251 : i32
    %dma_start3A_253 = arith.constant 0 : i32
    %dma_start3A_254 = tpu.memref_slice %arg4[%add3A_252, %dma_start3A_253] : memref<4096x4096xf32, #tpu.memory_space<hbm>> -> memref<8x4096xf32, #tpu.memory_space<hbm>>
    %dma_start3A_255 = arith.constant 0 : i32
    %dma_start3A_256 = tpu.memref_slice %arg4[%add3A_252, %dma_start3A_255] : memref<4096x4096xf32, #tpu.memory_space<hbm>> -> memref<8x4096xf32, #tpu.memory_space<hbm>>
    tpu.enqueue_dma source(%arg6 : memref<8x4096xf32, #tpu.memory_space<vmem>>) target(%dma_start3A_256 : memref<8x4096xf32, #tpu.memory_space<hbm>>) target_semaphore(%arg10 : memref<!tpu.dma_semaphore, #tpu.memory_space<semaphore_mem>>)
    %dma_wait3A_257 = arith.constant 0 : i32
    %dma_wait3A_258 = tpu.memref_slice %arg4[%add3A_228, %dma_wait3A_257] : memref<4096x4096xf32, #tpu.memory_space<hbm>> -> memref<8x4096xf32, #tpu.memory_space<hbm>>
    %dma_wait3A_259 = arith.constant 0 : i32
    %dma_wait3A_260 = tpu.memref_slice %arg4[%add3A_228, %dma_wait3A_259] : memref<4096x4096xf32, #tpu.memory_space<hbm>> -> memref<8x4096xf32, #tpu.memory_space<hbm>>
    tpu.wait_dma2 semaphore(%arg11 : memref<!tpu.dma_semaphore, #tpu.memory_space<semaphore_mem>>) src(%arg7 : memref<8x4096xf32, #tpu.memory_space<vmem>>) dst(%dma_wait3A_260 : memref<8x4096xf32, #tpu.memory_space<hbm>>)
    %dma_start3A_261 = arith.constant 11 : i32
    %dma_start3A_262 = arith.constant 0 : i32
    %dma_start3A_263 = tpu.memref_slice %arg5[%dma_start3A_261, %dma_start3A_262] : memref<16x8xi32, #tpu.memory_space<vmem>> -> memref<1x8xi32, #tpu.memory_space<vmem>>
    %dma_start3A_264 = tpu.memref_squeeze %dma_start3A_263 : memref<1x8xi32, #tpu.memory_space<vmem>> -> memref<8xi32, #tpu.memory_space<vmem>>
    %dma_start3A_265 = arith.constant 0 : i32
    %dma_start3A_266 = arith.constant 0 : i32
    %dma_start3A_267 = tpu.memref_slice %arg2[%dma_start3A_265, %dma_start3A_266] : memref<1000x4096xf32, #tpu.memory_space<hbm>> -> memref<1000x4096xf32, #tpu.memory_space<hbm>>
    tpu.enqueue_indirect_dma source(%dma_start3A_267 : memref<1000x4096xf32, #tpu.memory_space<hbm>>) target(%arg7 : memref<8x4096xf32, #tpu.memory_space<vmem>>) offsets(%dma_start3A_264 : memref<8xi32, #tpu.memory_space<vmem>>) semaphore(%arg9 : memref<!tpu.dma_semaphore, #tpu.memory_space<semaphore_mem>>)
    %dma_wait3A_268 = arith.constant 11 : i32
    %dma_wait3A_269 = arith.constant 0 : i32
    %dma_wait3A_270 = tpu.memref_slice %arg5[%dma_wait3A_268, %dma_wait3A_269] : memref<16x8xi32, #tpu.memory_space<vmem>> -> memref<1x8xi32, #tpu.memory_space<vmem>>
    %dma_wait3A_271 = tpu.memref_squeeze %dma_wait3A_270 : memref<1x8xi32, #tpu.memory_space<vmem>> -> memref<8xi32, #tpu.memory_space<vmem>>
    %dma_wait3A_272 = arith.constant 0 : i32
    %dma_wait3A_273 = arith.constant 0 : i32
    %dma_wait3A_274 = tpu.memref_slice %arg2[%dma_wait3A_272, %dma_wait3A_273] : memref<1000x4096xf32, #tpu.memory_space<hbm>> -> memref<1000x4096xf32, #tpu.memory_space<hbm>>
    tpu.wait_indirect_dma semaphore(%arg9 : memref<!tpu.dma_semaphore, #tpu.memory_space<semaphore_mem>>) src(%dma_wait3A_274 : memref<1000x4096xf32, #tpu.memory_space<hbm>>) dst(%arg7 : memref<8x4096xf32, #tpu.memory_space<vmem>>)
    %add3A_275 = arith.constant 88 : i32
    %add3A_276 = arith.addi %mul3A_2, %add3A_275 : i32
    %dma_start3A_277 = arith.constant 0 : i32
    %dma_start3A_278 = tpu.memref_slice %arg4[%add3A_276, %dma_start3A_277] : memref<4096x4096xf32, #tpu.memory_space<hbm>> -> memref<8x4096xf32, #tpu.memory_space<hbm>>
    %dma_start3A_279 = arith.constant 0 : i32
    %dma_start3A_280 = tpu.memref_slice %arg4[%add3A_276, %dma_start3A_279] : memref<4096x4096xf32, #tpu.memory_space<hbm>> -> memref<8x4096xf32, #tpu.memory_space<hbm>>
    tpu.enqueue_dma source(%arg7 : memref<8x4096xf32, #tpu.memory_space<vmem>>) target(%dma_start3A_280 : memref<8x4096xf32, #tpu.memory_space<hbm>>) target_semaphore(%arg11 : memref<!tpu.dma_semaphore, #tpu.memory_space<semaphore_mem>>)
    %dma_wait3A_281 = arith.constant 0 : i32
    %dma_wait3A_282 = tpu.memref_slice %arg4[%add3A_252, %dma_wait3A_281] : memref<4096x4096xf32, #tpu.memory_space<hbm>> -> memref<8x4096xf32, #tpu.memory_space<hbm>>
    %dma_wait3A_283 = arith.constant 0 : i32
    %dma_wait3A_284 = tpu.memref_slice %arg4[%add3A_252, %dma_wait3A_283] : memref<4096x4096xf32, #tpu.memory_space<hbm>> -> memref<8x4096xf32, #tpu.memory_space<hbm>>
    tpu.wait_dma2 semaphore(%arg10 : memref<!tpu.dma_semaphore, #tpu.memory_space<semaphore_mem>>) src(%arg6 : memref<8x4096xf32, #tpu.memory_space<vmem>>) dst(%dma_wait3A_284 : memref<8x4096xf32, #tpu.memory_space<hbm>>)
    %dma_start3A_285 = arith.constant 12 : i32
    %dma_start3A_286 = arith.constant 0 : i32
    %dma_start3A_287 = tpu.memref_slice %arg5[%dma_start3A_285, %dma_start3A_286] : memref<16x8xi32, #tpu.memory_space<vmem>> -> memref<1x8xi32, #tpu.memory_space<vmem>>
    %dma_start3A_288 = tpu.memref_squeeze %dma_start3A_287 : memref<1x8xi32, #tpu.memory_space<vmem>> -> memref<8xi32, #tpu.memory_space<vmem>>
    %dma_start3A_289 = arith.constant 0 : i32
    %dma_start3A_290 = arith.constant 0 : i32
    %dma_start3A_291 = tpu.memref_slice %arg2[%dma_start3A_289, %dma_start3A_290] : memref<1000x4096xf32, #tpu.memory_space<hbm>> -> memref<1000x4096xf32, #tpu.memory_space<hbm>>
    tpu.enqueue_indirect_dma source(%dma_start3A_291 : memref<1000x4096xf32, #tpu.memory_space<hbm>>) target(%arg6 : memref<8x4096xf32, #tpu.memory_space<vmem>>) offsets(%dma_start3A_288 : memref<8xi32, #tpu.memory_space<vmem>>) semaphore(%arg8 : memref<!tpu.dma_semaphore, #tpu.memory_space<semaphore_mem>>)
    %dma_wait3A_292 = arith.constant 12 : i32
    %dma_wait3A_293 = arith.constant 0 : i32
    %dma_wait3A_294 = tpu.memref_slice %arg5[%dma_wait3A_292, %dma_wait3A_293] : memref<16x8xi32, #tpu.memory_space<vmem>> -> memref<1x8xi32, #tpu.memory_space<vmem>>
    %dma_wait3A_295 = tpu.memref_squeeze %dma_wait3A_294 : memref<1x8xi32, #tpu.memory_space<vmem>> -> memref<8xi32, #tpu.memory_space<vmem>>
    %dma_wait3A_296 = arith.constant 0 : i32
    %dma_wait3A_297 = arith.constant 0 : i32
    %dma_wait3A_298 = tpu.memref_slice %arg2[%dma_wait3A_296, %dma_wait3A_297] : memref<1000x4096xf32, #tpu.memory_space<hbm>> -> memref<1000x4096xf32, #tpu.memory_space<hbm>>
    tpu.wait_indirect_dma semaphore(%arg8 : memref<!tpu.dma_semaphore, #tpu.memory_space<semaphore_mem>>) src(%dma_wait3A_298 : memref<1000x4096xf32, #tpu.memory_space<hbm>>) dst(%arg6 : memref<8x4096xf32, #tpu.memory_space<vmem>>)
    %add3A_299 = arith.constant 96 : i32
    %add3A_300 = arith.addi %mul3A_2, %add3A_299 : i32
    %dma_start3A_301 = arith.constant 0 : i32
    %dma_start3A_302 = tpu.memref_slice %arg4[%add3A_300, %dma_start3A_301] : memref<4096x4096xf32, #tpu.memory_space<hbm>> -> memref<8x4096xf32, #tpu.memory_space<hbm>>
    %dma_start3A_303 = arith.constant 0 : i32
    %dma_start3A_304 = tpu.memref_slice %arg4[%add3A_300, %dma_start3A_303] : memref<4096x4096xf32, #tpu.memory_space<hbm>> -> memref<8x4096xf32, #tpu.memory_space<hbm>>
    tpu.enqueue_dma source(%arg6 : memref<8x4096xf32, #tpu.memory_space<vmem>>) target(%dma_start3A_304 : memref<8x4096xf32, #tpu.memory_space<hbm>>) target_semaphore(%arg10 : memref<!tpu.dma_semaphore, #tpu.memory_space<semaphore_mem>>)
    %dma_wait3A_305 = arith.constant 0 : i32
    %dma_wait3A_306 = tpu.memref_slice %arg4[%add3A_276, %dma_wait3A_305] : memref<4096x4096xf32, #tpu.memory_space<hbm>> -> memref<8x4096xf32, #tpu.memory_space<hbm>>
    %dma_wait3A_307 = arith.constant 0 : i32
    %dma_wait3A_308 = tpu.memref_slice %arg4[%add3A_276, %dma_wait3A_307] : memref<4096x4096xf32, #tpu.memory_space<hbm>> -> memref<8x4096xf32, #tpu.memory_space<hbm>>
    tpu.wait_dma2 semaphore(%arg11 : memref<!tpu.dma_semaphore, #tpu.memory_space<semaphore_mem>>) src(%arg7 : memref<8x4096xf32, #tpu.memory_space<vmem>>) dst(%dma_wait3A_308 : memref<8x4096xf32, #tpu.memory_space<hbm>>)
    %dma_start3A_309 = arith.constant 13 : i32
    %dma_start3A_310 = arith.constant 0 : i32
    %dma_start3A_311 = tpu.memref_slice %arg5[%dma_start3A_309, %dma_start3A_310] : memref<16x8xi32, #tpu.memory_space<vmem>> -> memref<1x8xi32, #tpu.memory_space<vmem>>
    %dma_start3A_312 = tpu.memref_squeeze %dma_start3A_311 : memref<1x8xi32, #tpu.memory_space<vmem>> -> memref<8xi32, #tpu.memory_space<vmem>>
    %dma_start3A_313 = arith.constant 0 : i32
    %dma_start3A_314 = arith.constant 0 : i32
    %dma_start3A_315 = tpu.memref_slice %arg2[%dma_start3A_313, %dma_start3A_314] : memref<1000x4096xf32, #tpu.memory_space<hbm>> -> memref<1000x4096xf32, #tpu.memory_space<hbm>>
    tpu.enqueue_indirect_dma source(%dma_start3A_315 : memref<1000x4096xf32, #tpu.memory_space<hbm>>) target(%arg7 : memref<8x4096xf32, #tpu.memory_space<vmem>>) offsets(%dma_start3A_312 : memref<8xi32, #tpu.memory_space<vmem>>) semaphore(%arg9 : memref<!tpu.dma_semaphore, #tpu.memory_space<semaphore_mem>>)
    %dma_wait3A_316 = arith.constant 13 : i32
    %dma_wait3A_317 = arith.constant 0 : i32
    %dma_wait3A_318 = tpu.memref_slice %arg5[%dma_wait3A_316, %dma_wait3A_317] : memref<16x8xi32, #tpu.memory_space<vmem>> -> memref<1x8xi32, #tpu.memory_space<vmem>>
    %dma_wait3A_319 = tpu.memref_squeeze %dma_wait3A_318 : memref<1x8xi32, #tpu.memory_space<vmem>> -> memref<8xi32, #tpu.memory_space<vmem>>
    %dma_wait3A_320 = arith.constant 0 : i32
    %dma_wait3A_321 = arith.constant 0 : i32
    %dma_wait3A_322 = tpu.memref_slice %arg2[%dma_wait3A_320, %dma_wait3A_321] : memref<1000x4096xf32, #tpu.memory_space<hbm>> -> memref<1000x4096xf32, #tpu.memory_space<hbm>>
    tpu.wait_indirect_dma semaphore(%arg9 : memref<!tpu.dma_semaphore, #tpu.memory_space<semaphore_mem>>) src(%dma_wait3A_322 : memref<1000x4096xf32, #tpu.memory_space<hbm>>) dst(%arg7 : memref<8x4096xf32, #tpu.memory_space<vmem>>)
    %add3A_323 = arith.constant 104 : i32
    %add3A_324 = arith.addi %mul3A_2, %add3A_323 : i32
    %dma_start3A_325 = arith.constant 0 : i32
    %dma_start3A_326 = tpu.memref_slice %arg4[%add3A_324, %dma_start3A_325] : memref<4096x4096xf32, #tpu.memory_space<hbm>> -> memref<8x4096xf32, #tpu.memory_space<hbm>>
    %dma_start3A_327 = arith.constant 0 : i32
    %dma_start3A_328 = tpu.memref_slice %arg4[%add3A_324, %dma_start3A_327] : memref<4096x4096xf32, #tpu.memory_space<hbm>> -> memref<8x4096xf32, #tpu.memory_space<hbm>>
    tpu.enqueue_dma source(%arg7 : memref<8x4096xf32, #tpu.memory_space<vmem>>) target(%dma_start3A_328 : memref<8x4096xf32, #tpu.memory_space<hbm>>) target_semaphore(%arg11 : memref<!tpu.dma_semaphore, #tpu.memory_space<semaphore_mem>>)
    %dma_wait3A_329 = arith.constant 0 : i32
    %dma_wait3A_330 = tpu.memref_slice %arg4[%add3A_300, %dma_wait3A_329] : memref<4096x4096xf32, #tpu.memory_space<hbm>> -> memref<8x4096xf32, #tpu.memory_space<hbm>>
    %dma_wait3A_331 = arith.constant 0 : i32
    %dma_wait3A_332 = tpu.memref_slice %arg4[%add3A_300, %dma_wait3A_331] : memref<4096x4096xf32, #tpu.memory_space<hbm>> -> memref<8x4096xf32, #tpu.memory_space<hbm>>
    tpu.wait_dma2 semaphore(%arg10 : memref<!tpu.dma_semaphore, #tpu.memory_space<semaphore_mem>>) src(%arg6 : memref<8x4096xf32, #tpu.memory_space<vmem>>) dst(%dma_wait3A_332 : memref<8x4096xf32, #tpu.memory_space<hbm>>)
    %dma_start3A_333 = arith.constant 14 : i32
    %dma_start3A_334 = arith.constant 0 : i32
    %dma_start3A_335 = tpu.memref_slice %arg5[%dma_start3A_333, %dma_start3A_334] : memref<16x8xi32, #tpu.memory_space<vmem>> -> memref<1x8xi32, #tpu.memory_space<vmem>>
    %dma_start3A_336 = tpu.memref_squeeze %dma_start3A_335 : memref<1x8xi32, #tpu.memory_space<vmem>> -> memref<8xi32, #tpu.memory_space<vmem>>
    %dma_start3A_337 = arith.constant 0 : i32
    %dma_start3A_338 = arith.constant 0 : i32
    %dma_start3A_339 = tpu.memref_slice %arg2[%dma_start3A_337, %dma_start3A_338] : memref<1000x4096xf32, #tpu.memory_space<hbm>> -> memref<1000x4096xf32, #tpu.memory_space<hbm>>
    tpu.enqueue_indirect_dma source(%dma_start3A_339 : memref<1000x4096xf32, #tpu.memory_space<hbm>>) target(%arg6 : memref<8x4096xf32, #tpu.memory_space<vmem>>) offsets(%dma_start3A_336 : memref<8xi32, #tpu.memory_space<vmem>>) semaphore(%arg8 : memref<!tpu.dma_semaphore, #tpu.memory_space<semaphore_mem>>)
    %dma_wait3A_340 = arith.constant 14 : i32
    %dma_wait3A_341 = arith.constant 0 : i32
    %dma_wait3A_342 = tpu.memref_slice %arg5[%dma_wait3A_340, %dma_wait3A_341] : memref<16x8xi32, #tpu.memory_space<vmem>> -> memref<1x8xi32, #tpu.memory_space<vmem>>
    %dma_wait3A_343 = tpu.memref_squeeze %dma_wait3A_342 : memref<1x8xi32, #tpu.memory_space<vmem>> -> memref<8xi32, #tpu.memory_space<vmem>>
    %dma_wait3A_344 = arith.constant 0 : i32
    %dma_wait3A_345 = arith.constant 0 : i32
    %dma_wait3A_346 = tpu.memref_slice %arg2[%dma_wait3A_344, %dma_wait3A_345] : memref<1000x4096xf32, #tpu.memory_space<hbm>> -> memref<1000x4096xf32, #tpu.memory_space<hbm>>
    tpu.wait_indirect_dma semaphore(%arg8 : memref<!tpu.dma_semaphore, #tpu.memory_space<semaphore_mem>>) src(%dma_wait3A_346 : memref<1000x4096xf32, #tpu.memory_space<hbm>>) dst(%arg6 : memref<8x4096xf32, #tpu.memory_space<vmem>>)
    %add3A_347 = arith.constant 112 : i32
    %add3A_348 = arith.addi %mul3A_2, %add3A_347 : i32
    %dma_start3A_349 = arith.constant 0 : i32
    %dma_start3A_350 = tpu.memref_slice %arg4[%add3A_348, %dma_start3A_349] : memref<4096x4096xf32, #tpu.memory_space<hbm>> -> memref<8x4096xf32, #tpu.memory_space<hbm>>
    %dma_start3A_351 = arith.constant 0 : i32
    %dma_start3A_352 = tpu.memref_slice %arg4[%add3A_348, %dma_start3A_351] : memref<4096x4096xf32, #tpu.memory_space<hbm>> -> memref<8x4096xf32, #tpu.memory_space<hbm>>
    tpu.enqueue_dma source(%arg6 : memref<8x4096xf32, #tpu.memory_space<vmem>>) target(%dma_start3A_352 : memref<8x4096xf32, #tpu.memory_space<hbm>>) target_semaphore(%arg10 : memref<!tpu.dma_semaphore, #tpu.memory_space<semaphore_mem>>)
    %dma_wait3A_353 = arith.constant 0 : i32
    %dma_wait3A_354 = tpu.memref_slice %arg4[%add3A_324, %dma_wait3A_353] : memref<4096x4096xf32, #tpu.memory_space<hbm>> -> memref<8x4096xf32, #tpu.memory_space<hbm>>
    %dma_wait3A_355 = arith.constant 0 : i32
    %dma_wait3A_356 = tpu.memref_slice %arg4[%add3A_324, %dma_wait3A_355] : memref<4096x4096xf32, #tpu.memory_space<hbm>> -> memref<8x4096xf32, #tpu.memory_space<hbm>>
    tpu.wait_dma2 semaphore(%arg11 : memref<!tpu.dma_semaphore, #tpu.memory_space<semaphore_mem>>) src(%arg7 : memref<8x4096xf32, #tpu.memory_space<vmem>>) dst(%dma_wait3A_356 : memref<8x4096xf32, #tpu.memory_space<hbm>>)
    %dma_start3A_357 = arith.constant 15 : i32
    %dma_start3A_358 = arith.constant 0 : i32
    %dma_start3A_359 = tpu.memref_slice %arg5[%dma_start3A_357, %dma_start3A_358] : memref<16x8xi32, #tpu.memory_space<vmem>> -> memref<1x8xi32, #tpu.memory_space<vmem>>
    %dma_start3A_360 = tpu.memref_squeeze %dma_start3A_359 : memref<1x8xi32, #tpu.memory_space<vmem>> -> memref<8xi32, #tpu.memory_space<vmem>>
    %dma_start3A_361 = arith.constant 0 : i32
    %dma_start3A_362 = arith.constant 0 : i32
    %dma_start3A_363 = tpu.memref_slice %arg2[%dma_start3A_361, %dma_start3A_362] : memref<1000x4096xf32, #tpu.memory_space<hbm>> -> memref<1000x4096xf32, #tpu.memory_space<hbm>>
    tpu.enqueue_indirect_dma source(%dma_start3A_363 : memref<1000x4096xf32, #tpu.memory_space<hbm>>) target(%arg7 : memref<8x4096xf32, #tpu.memory_space<vmem>>) offsets(%dma_start3A_360 : memref<8xi32, #tpu.memory_space<vmem>>) semaphore(%arg9 : memref<!tpu.dma_semaphore, #tpu.memory_space<semaphore_mem>>)
    %dma_wait3A_364 = arith.constant 15 : i32
    %dma_wait3A_365 = arith.constant 0 : i32
    %dma_wait3A_366 = tpu.memref_slice %arg5[%dma_wait3A_364, %dma_wait3A_365] : memref<16x8xi32, #tpu.memory_space<vmem>> -> memref<1x8xi32, #tpu.memory_space<vmem>>
    %dma_wait3A_367 = tpu.memref_squeeze %dma_wait3A_366 : memref<1x8xi32, #tpu.memory_space<vmem>> -> memref<8xi32, #tpu.memory_space<vmem>>
    %dma_wait3A_368 = arith.constant 0 : i32
    %dma_wait3A_369 = arith.constant 0 : i32
    %dma_wait3A_370 = tpu.memref_slice %arg2[%dma_wait3A_368, %dma_wait3A_369] : memref<1000x4096xf32, #tpu.memory_space<hbm>> -> memref<1000x4096xf32, #tpu.memory_space<hbm>>
    tpu.wait_indirect_dma semaphore(%arg9 : memref<!tpu.dma_semaphore, #tpu.memory_space<semaphore_mem>>) src(%dma_wait3A_370 : memref<1000x4096xf32, #tpu.memory_space<hbm>>) dst(%arg7 : memref<8x4096xf32, #tpu.memory_space<vmem>>)
    %add3A_371 = arith.constant 120 : i32
    %add3A_372 = arith.addi %mul3A_2, %add3A_371 : i32
    %dma_start3A_373 = arith.constant 0 : i32
    %dma_start3A_374 = tpu.memref_slice %arg4[%add3A_372, %dma_start3A_373] : memref<4096x4096xf32, #tpu.memory_space<hbm>> -> memref<8x4096xf32, #tpu.memory_space<hbm>>
    %dma_start3A_375 = arith.constant 0 : i32
    %dma_start3A_376 = tpu.memref_slice %arg4[%add3A_372, %dma_start3A_375] : memref<4096x4096xf32, #tpu.memory_space<hbm>> -> memref<8x4096xf32, #tpu.memory_space<hbm>>
    tpu.enqueue_dma source(%arg7 : memref<8x4096xf32, #tpu.memory_space<vmem>>) target(%dma_start3A_376 : memref<8x4096xf32, #tpu.memory_space<hbm>>) target_semaphore(%arg11 : memref<!tpu.dma_semaphore, #tpu.memory_space<semaphore_mem>>)
    %dma_wait3A_377 = arith.constant 0 : i32
    %dma_wait3A_378 = tpu.memref_slice %arg4[%add3A_348, %dma_wait3A_377] : memref<4096x4096xf32, #tpu.memory_space<hbm>> -> memref<8x4096xf32, #tpu.memory_space<hbm>>
    %dma_wait3A_379 = arith.constant 0 : i32
    %dma_wait3A_380 = tpu.memref_slice %arg4[%add3A_348, %dma_wait3A_379] : memref<4096x4096xf32, #tpu.memory_space<hbm>> -> memref<8x4096xf32, #tpu.memory_space<hbm>>
    tpu.wait_dma2 semaphore(%arg10 : memref<!tpu.dma_semaphore, #tpu.memory_space<semaphore_mem>>) src(%arg6 : memref<8x4096xf32, #tpu.memory_space<vmem>>) dst(%dma_wait3A_380 : memref<8x4096xf32, #tpu.memory_space<hbm>>)
    %dma_wait3A_381 = arith.constant 0 : i32
    %dma_wait3A_382 = tpu.memref_slice %arg4[%add3A_372, %dma_wait3A_381] : memref<4096x4096xf32, #tpu.memory_space<hbm>> -> memref<8x4096xf32, #tpu.memory_space<hbm>>
    %dma_wait3A_383 = arith.constant 0 : i32
    %dma_wait3A_384 = tpu.memref_slice %arg4[%add3A_372, %dma_wait3A_383] : memref<4096x4096xf32, #tpu.memory_space<hbm>> -> memref<8x4096xf32, #tpu.memory_space<hbm>>
    tpu.wait_dma2 semaphore(%arg11 : memref<!tpu.dma_semaphore, #tpu.memory_space<semaphore_mem>>) src(%arg7 : memref<8x4096xf32, #tpu.memory_space<vmem>>) dst(%dma_wait3A_384 : memref<8x4096xf32, #tpu.memory_space<hbm>>)
    return
  }
}

module attributes {stable_mosaic.version = 14 : i64} {
  func.func @_tc1_body(%arg0: i32, %arg1: memref<1024x1xf32, #tpu.memory_space<vmem>>, %arg2: memref<1024x4096xf32, #tpu.memory_space<vmem>>, %arg3: memref<1x4096xf32, #tpu.memory_space<vmem>>, %arg4: memref<1024x4096xbf16, #tpu.memory_space<vmem>>, %arg5: memref<1024x4096xbf16, #tpu.memory_space<vmem>>) attributes {dimension_semantics = [#tpu.dimension_semantics<arbitrary>], iteration_bounds = array<i64: 4>, scalar_prefetch = 0 : i64, scratch_operands = 1 : i64, tpu.core_type = #tpu.core_type<tc>, window_params = [{transform_indices = @transform_0, window_bounds = array<i64: 1024, 1>}, {pipeline_mode = #tpu.pipeline_mode<synchronous>, transform_indices = @transform_1, window_bounds = array<i64: 1024, 4096>}, {pipeline_mode = #tpu.pipeline_mode<synchronous>, transform_indices = @transform_2, window_bounds = array<i64: 1, 4096>}, {transform_indices = @transform_3, window_bounds = array<i64: 1024, 4096>}]} {
    %eq3A = arith.constant 0 : i32
    %eq3A_0 = arith.cmpi eq, %arg0, %eq3A : i32
    %convert_element_type3A = arith.extui %eq3A_0 : i1 to i32
    %cond3A = arith.constant 0 : i32
    %cond3A_1 = arith.cmpi ne, %convert_element_type3A, %cond3A : i32
    scf.if %cond3A_1 {
      %get3A_83 = arith.constant 0 : index
      %get3A_84 = arith.constant 0 : index
      %get3A_85 = vector.load %arg2[%get3A_83, %get3A_84] : memref<1024x4096xf32, #tpu.memory_space<vmem>>, vector<1024x4096xf32>
      %convert_element_type3A_86 = arith.truncf %get3A_85 : vector<1024x4096xf32> to vector<1024x4096xbf16>
      %swap3A_87 = arith.constant 0 : index
      %swap3A_88 = arith.constant 0 : index
      %swap3A_89 = vector.load %arg5[%swap3A_87, %swap3A_88] : memref<1024x4096xbf16, #tpu.memory_space<vmem>>, vector<1024x4096xbf16>
      tpu.vector_store %arg5[%swap3A_87, %swap3A_88], %convert_element_type3A_86 {strides = array<i32>} : memref<1024x4096xbf16, #tpu.memory_space<vmem>>, vector<1024x4096xbf16>,
    } else {
    }
    %get3A = arith.constant 0 : index
    %get3A_2 = arith.constant 0 : index
    %get3A_3 = vector.load %arg1[%get3A, %get3A_2] : memref<1024x1xf32, #tpu.memory_space<vmem>>, vector<1024x1xf32>
    %iota3A = tpu.iota {dimensions = array<i32: 1>} : vector<1x512xi32>
    %convert_element_type3A_4 = arith.sitofp %iota3A : vector<1x512xi32> to vector<1x512xf32>
    %mul3A = arith.constant -0.0179889463 : f32
    %mul3A_5 = vector.broadcast %mul3A : f32 to vector<1x512xf32>
    %mul3A_6 = arith.mulf %convert_element_type3A_4, %mul3A_5 : vector<1x512xf32>
    %exp3A = math.exp %mul3A_6 : vector<1x512xf32>
    %mul3A_7 = vector.broadcast %get3A_3 : vector<1024x1xf32> to vector<1024x512xf32>
    %mul3A_8 = vector.broadcast %exp3A : vector<1x512xf32> to vector<1024x512xf32>
    %mul3A_9 = arith.mulf %mul3A_7, %mul3A_8 : vector<1024x512xf32>
    %mul3A_10 = arith.constant 0.159154937 : f32
    %mul3A_11 = vector.broadcast %mul3A_10 : f32 to vector<1024x512xf32>
    %mul3A_12 = arith.mulf %mul3A_9, %mul3A_11 : vector<1024x512xf32>
    %add3A = arith.constant 5.000000e-01 : f32
    %add3A_13 = vector.broadcast %add3A : f32 to vector<1024x512xf32>
    %add3A_14 = arith.addf %mul3A_12, %add3A_13 : vector<1024x512xf32>
    %floor3A = math.floor %add3A_14 : vector<1024x512xf32>
    %mul3A_15 = arith.constant 6.281250e+00 : f32
    %mul3A_16 = vector.broadcast %mul3A_15 : f32 to vector<1024x512xf32>
    %mul3A_17 = arith.mulf %floor3A, %mul3A_16 : vector<1024x512xf32>
    %sub3A = arith.subf %mul3A_9, %mul3A_17 : vector<1024x512xf32>
    %mul3A_18 = arith.constant 0.00193530717 : f32
    %mul3A_19 = vector.broadcast %mul3A_18 : f32 to vector<1024x512xf32>
    %mul3A_20 = arith.mulf %floor3A, %mul3A_19 : vector<1024x512xf32>
    %sub3A_21 = arith.subf %sub3A, %mul3A_20 : vector<1024x512xf32>
    %mul3A_22 = arith.mulf %sub3A_21, %sub3A_21 : vector<1024x512xf32>
    %mul3A_23 = arith.constant 2.173210e-06 : f32
    %mul3A_24 = vector.broadcast %mul3A_23 : f32 to vector<1024x512xf32>
    %mul3A_25 = arith.mulf %mul3A_22, %mul3A_24 : vector<1024x512xf32>
    %add3A_26 = arith.constant -1.93161817E-4 : f32
    %add3A_27 = vector.broadcast %add3A_26 : f32 to vector<1024x512xf32>
    %add3A_28 = arith.addf %add3A_27, %mul3A_25 : vector<1024x512xf32>
    %mul3A_29 = arith.mulf %mul3A_22, %add3A_28 : vector<1024x512xf32>
    %add3A_30 = arith.constant 0.00831238274 : f32
    %add3A_31 = vector.broadcast %add3A_30 : f32 to vector<1024x512xf32>
    %add3A_32 = arith.addf %add3A_31, %mul3A_29 : vector<1024x512xf32>
    %mul3A_33 = arith.mulf %mul3A_22, %add3A_32 : vector<1024x512xf32>
    %add3A_34 = arith.constant -0.166632578 : f32
    %add3A_35 = vector.broadcast %add3A_34 : f32 to vector<1024x512xf32>
    %add3A_36 = arith.addf %add3A_35, %mul3A_33 : vector<1024x512xf32>
    %mul3A_37 = arith.mulf %mul3A_22, %add3A_36 : vector<1024x512xf32>
    %add3A_38 = arith.constant 0.999984562 : f32
    %add3A_39 = vector.broadcast %add3A_38 : f32 to vector<1024x512xf32>
    %add3A_40 = arith.addf %add3A_39, %mul3A_37 : vector<1024x512xf32>
    %mul3A_41 = arith.mulf %sub3A_21, %add3A_40 : vector<1024x512xf32>
    %mul3A_42 = arith.constant -2.21936943E-7 : f32
    %mul3A_43 = vector.broadcast %mul3A_42 : f32 to vector<1024x512xf32>
    %mul3A_44 = arith.mulf %mul3A_22, %mul3A_43 : vector<1024x512xf32>
    %add3A_45 = arith.constant 2.42531387E-5 : f32
    %add3A_46 = vector.broadcast %add3A_45 : f32 to vector<1024x512xf32>
    %add3A_47 = arith.addf %add3A_46, %mul3A_44 : vector<1024x512xf32>
    %mul3A_48 = arith.mulf %mul3A_22, %add3A_47 : vector<1024x512xf32>
    %add3A_49 = arith.constant -0.00138627435 : f32
    %add3A_50 = vector.broadcast %add3A_49 : f32 to vector<1024x512xf32>
    %add3A_51 = arith.addf %add3A_50, %mul3A_48 : vector<1024x512xf32>
    %mul3A_52 = arith.mulf %mul3A_22, %add3A_51 : vector<1024x512xf32>
    %add3A_53 = arith.constant 0.0416610315 : f32
    %add3A_54 = vector.broadcast %add3A_53 : f32 to vector<1024x512xf32>
    %add3A_55 = arith.addf %add3A_54, %mul3A_52 : vector<1024x512xf32>
    %mul3A_56 = arith.mulf %mul3A_22, %add3A_55 : vector<1024x512xf32>
    %add3A_57 = arith.constant -0.499995589 : f32
    %add3A_58 = vector.broadcast %add3A_57 : f32 to vector<1024x512xf32>
    %add3A_59 = arith.addf %add3A_58, %mul3A_56 : vector<1024x512xf32>
    %mul3A_60 = arith.mulf %mul3A_22, %add3A_59 : vector<1024x512xf32>
    %add3A_61 = arith.constant 0.999999463 : f32
    %add3A_62 = vector.broadcast %add3A_61 : f32 to vector<1024x512xf32>
    %add3A_63 = arith.addf %add3A_62, %mul3A_60 : vector<1024x512xf32>
    %concatenate3A = tpu.concatenate %add3A_63, %mul3A_41 in 1 : vector<1024x512xf32>, vector<1024x512xf32> -> vector<1024x1024xf32>
    %convert_element_type3A_64 = arith.truncf %concatenate3A : vector<1024x1024xf32> to vector<1024x1024xbf16>
    %get3A_65 = arith.constant 0 : index
    %get3A_66 = arith.constant 0 : index
    %get3A_67 = vector.load %arg5[%get3A_65, %get3A_66] : memref<1024x4096xbf16, #tpu.memory_space<vmem>>, vector<1024x4096xbf16>
    %dot_general3A = arith.constant dense<0.000000e+00> : vector<1024x4096xf32>
    %dot_general3A_68 = tpu.matmul %convert_element_type3A_64, %get3A_67, %dot_general3A {dimension_numbers = #tpu.dot_dimension_numbers<[1], [0], [0], [1], [0, 0, 1, 1], [], []>, transpose_lhs_hint = false} : vector<1024x1024xbf16>, vector<1024x4096xbf16>, vector<1024x4096xf32> -> vector<1024x4096xf32>
    %get3A_69 = arith.constant 0 : index
    %get3A_70 = arith.constant 0 : index
    %get3A_71 = vector.load %arg3[%get3A_69, %get3A_70] : memref<1x4096xf32, #tpu.memory_space<vmem>>, vector<1x4096xf32>
    %add3A_72 = vector.broadcast %get3A_71 : vector<1x4096xf32> to vector<1024x4096xf32>
    %add3A_73 = arith.addf %dot_general3A_68, %add3A_72 : vector<1024x4096xf32>
    %logistic3A = arith.negf %add3A_73 : vector<1024x4096xf32>
    %logistic3A_74 = math.exp %logistic3A : vector<1024x4096xf32>
    %logistic3A_75 = arith.constant 1.000000e+00 : f32
    %logistic3A_76 = vector.broadcast %logistic3A_75 : f32 to vector<1024x4096xf32>
    %logistic3A_77 = arith.addf %logistic3A_76, %logistic3A_74 : vector<1024x4096xf32>
    %logistic3A_78 = arith.divf %logistic3A_76, %logistic3A_77 : vector<1024x4096xf32>
    %mul3A_79 = arith.mulf %add3A_73, %logistic3A_78 : vector<1024x4096xf32>
    %convert_element_type3A_80 = arith.truncf %mul3A_79 : vector<1024x4096xf32> to vector<1024x4096xbf16>
    %swap3A = arith.constant 0 : index
    %swap3A_81 = arith.constant 0 : index
    %swap3A_82 = vector.load %arg4[%swap3A, %swap3A_81] : memref<1024x4096xbf16, #tpu.memory_space<vmem>>, vector<1024x4096xbf16>
    tpu.vector_store %arg4[%swap3A, %swap3A_81], %convert_element_type3A_80 {strides = array<i32>} : memref<1024x4096xbf16, #tpu.memory_space<vmem>>, vector<1024x4096xbf16>,
    return
  }
  func.func @transform_0(%arg0: i32) -> (i32, i32) {
    %c0_i32 = arith.constant 0 : i32
    %c0_i32_0 = arith.constant 0 : i32
    return %arg0, %c0_i32 : i32, i32
  }
  func.func @transform_1(%arg0: i32) -> (i32, i32) {
    %c0_i32 = arith.constant 0 : i32
    %c0_i32_0 = arith.constant 0 : i32
    %c0_i32_1 = arith.constant 0 : i32
    return %c0_i32, %c0_i32_0 : i32, i32
  }
  func.func @transform_2(%arg0: i32) -> (i32, i32) {
    %c0_i32 = arith.constant 0 : i32
    %c0_i32_0 = arith.constant 0 : i32
    %c0_i32_1 = arith.constant 0 : i32
    return %c0_i32, %c0_i32_0 : i32, i32
  }
  func.func @transform_3(%arg0: i32) -> (i32, i32) {
    %c0_i32 = arith.constant 0 : i32
    %c0_i32_0 = arith.constant 0 : i32
    return %arg0, %c0_i32 : i32, i32
  }
}

module attributes {stable_mosaic.version = 14 : i64} {
  func.func @_tc2_body(%arg0: i32, %arg1: i32, %arg2: memref<2048x4096xbf16, #tpu.memory_space<vmem>>, %arg3: memref<4096x256xf32, #tpu.memory_space<vmem>>, %arg4: memref<1x256xf32, #tpu.memory_space<vmem>>, %arg5: memref<2048x256xf32, #tpu.memory_space<vmem>>, %arg6: memref<2048x256xf32, #tpu.memory_space<vmem>>) attributes {dimension_semantics = [#tpu.dimension_semantics<arbitrary>, #tpu.dimension_semantics<arbitrary>], iteration_bounds = array<i64: 2, 16>, scalar_prefetch = 0 : i64, scratch_operands = 0 : i64, tpu.core_type = #tpu.core_type<tc>, window_params = [{transform_indices = @transform_0, window_bounds = array<i64: 2048, 4096>}, {transform_indices = @transform_1, window_bounds = array<i64: 4096, 256>}, {transform_indices = @transform_2, window_bounds = array<i64: 1, 256>}, {transform_indices = @transform_3, window_bounds = array<i64: 2048, 256>}, {transform_indices = @transform_4, window_bounds = array<i64: 2048, 256>}]} {
    %get3A = arith.constant 0 : index
    %get3A_0 = arith.constant 0 : index
    %get3A_1 = vector.load %arg2[%get3A, %get3A_0] : memref<2048x4096xbf16, #tpu.memory_space<vmem>>, vector<2048x4096xbf16>
    %get3A_2 = arith.constant 0 : index
    %get3A_3 = arith.constant 0 : index
    %get3A_4 = vector.load %arg3[%get3A_2, %get3A_3] : memref<4096x256xf32, #tpu.memory_space<vmem>>, vector<4096x256xf32>
    %convert_element_type3A = arith.truncf %get3A_4 : vector<4096x256xf32> to vector<4096x256xbf16>
    %dot_general3A = arith.constant dense<0.000000e+00> : vector<2048x256xf32>
    %dot_general3A_5 = tpu.matmul %get3A_1, %convert_element_type3A, %dot_general3A {dimension_numbers = #tpu.dot_dimension_numbers<[1], [0], [0], [1], [0, 0, 1, 1], [], []>, transpose_lhs_hint = false} : vector<2048x4096xbf16>, vector<4096x256xbf16>, vector<2048x256xf32> -> vector<2048x256xf32>
    %get3A_6 = arith.constant 0 : index
    %get3A_7 = arith.constant 0 : index
    %get3A_8 = vector.load %arg4[%get3A_6, %get3A_7] : memref<1x256xf32, #tpu.memory_space<vmem>>, vector<1x256xf32>
    %add3A = vector.broadcast %get3A_8 : vector<1x256xf32> to vector<2048x256xf32>
    %add3A_9 = arith.addf %dot_general3A_5, %add3A : vector<2048x256xf32>
    %get3A_10 = arith.constant 0 : index
    %get3A_11 = arith.constant 0 : index
    %get3A_12 = vector.load %arg5[%get3A_10, %get3A_11] : memref<2048x256xf32, #tpu.memory_space<vmem>>, vector<2048x256xf32>
    %add3A_13 = arith.addf %add3A_9, %get3A_12 : vector<2048x256xf32>
    %swap3A = arith.constant 0 : index
    %swap3A_14 = arith.constant 0 : index
    %swap3A_15 = vector.load %arg6[%swap3A, %swap3A_14] : memref<2048x256xf32, #tpu.memory_space<vmem>>, vector<2048x256xf32>
    tpu.vector_store %arg6[%swap3A, %swap3A_14], %add3A_13 {strides = array<i32>} : memref<2048x256xf32, #tpu.memory_space<vmem>>, vector<2048x256xf32>,
    return
  }
  func.func @transform_0(%arg0: i32, %arg1: i32) -> (i32, i32) {
    %c0_i32 = arith.constant 0 : i32
    %c0_i32_0 = arith.constant 0 : i32
    return %arg0, %c0_i32 : i32, i32
  }
  func.func @transform_1(%arg0: i32, %arg1: i32) -> (i32, i32) {
    %c0_i32 = arith.constant 0 : i32
    %c0_i32_0 = arith.constant 0 : i32
    return %c0_i32, %arg1 : i32, i32
  }
  func.func @transform_2(%arg0: i32, %arg1: i32) -> (i32, i32) {
    %c0_i32 = arith.constant 0 : i32
    %c0_i32_0 = arith.constant 0 : i32
    return %c0_i32, %arg1 : i32, i32
  }
  func.func @transform_3(%arg0: i32, %arg1: i32) -> (i32, i32) {
    %c0_i32 = arith.constant 0 : i32
    return %arg0, %arg1 : i32, i32
  }
  func.func @transform_4(%arg0: i32, %arg1: i32) -> (i32, i32) {
    %c0_i32 = arith.constant 0 : i32
    return %arg0, %arg1 : i32, i32
  }
}

</mosaic_0001>

<sc_bundles>
// kernel: kernel.5.cloned.1.call-start
scs
__scs_entry_jumppad:
0x0: {  	(pc) =	sbr.rel $0x88, $3  }
0x1: {  	(tag) =	ssettag $0x0;
	lr =	simm.s32 $0x1  }
0x2: {  	[smem:$0x3F9A] =	sst lr;
	_ =	strace $0xD0000000  }
0x3: {  	_ = 	snop  }
0x4: {  	_ = 	snop  }
0x5: {  	_ = 	snop  }
0x6: {  	_ = 	snop  }
0x7: {  	_ = 	snop  }
__scs_overlays_trampoline_lowered:
0x8: {  	[smem:$0x3FA9] =	sst s0  }
0x9: {  	[smem:$0x3FAA] =	sst s1  }
0xa: {  	[smem:$0x3FAB] =	sst s2  }
0xb: {  	[smem:$0x3FAC] =	sst s3  }
0xc: {  	[smem:$0x3FAD] =	sst s4  }
0xd: {  	[smem:$0x3FAE] =	sst s5  }
0xe: {  	[smem:$0x3FAF] =	sst s6  }
0xf: {  	[smem:$0x3FB0] =	sst s7  }
0x10: {  	[smem:$0x3FB1] =	sst s8  }
0x11: {  	[smem:$0x3FB2] =	sst s9;
	s0 =	simm.s32 @!p0 $0x0  }
0x12: {  	s1 =	sld [smem:$0x3F98];
	s0 =	simm.s32 @p0 $0x1  }
0x13: {  	[smem:$0x3FB3] =	sst s0;
	s0 =	simm.s32 @!p1 $0x0  }
0x14: {  	s2 =	sld [smem:$0x3F97];
	s0 =	simm.s32 @p1 $0x1  }
0x15: {  	[smem:$0x3FB4] =	sst s0;
	s0 =	simm.s32 @!p2 $0x0  }
0x16: {  	s3 =	sld [smem:$0x3FDB];
	s0 =	simm.s32 @p2 $0x1  }
0x17: {  	s4 =	simm.s32 $0x1BF5;
	[smem:$0x3FB6] =	sst s0  }
0x18: {  	s0 =	sld [smem:$0x3F99];
	_ =	swait.ge [sflag:s4], $0x0  }
0x19: {  	s7 =	sld [smem:$0x3F9A]  }
0x1a: {  	s8 =	sadd.s32 $0xFFFFE003, lr  }
0x1b: {  	s9 =	sadd.s32 $0xFFFFFEF7, lr;
	s5 =	simm.s32 $0xFFFFFFFF;
	p2 =	slt.u32 s8, $0xFFFFF086  }
0x1c: {  	p1 =	slt.u32 s9, $0xF7A;
	s5 =	simm.s32 @!p2 $0x0  }
0x1d: {  	s5 =	simm.s32 @p1 $0x1;
	p0 =	seq.s32 s7, s2  }
0x1e: {  	s7 =	smul.u32 @!p0 $0xF7A, s2;
	p2 =	seq.s32 @!p0 s5, $0x0  }
0x1f: {  	s9 =	smul.u32 $0xF7A, s1;
	s8 =	simm.s32 @!p0 $0x1BF5;
	p2 =	por !p2, p0  }
0x20: {  	[sflag:s8] =	ssyncset.s32 @!p0 $0xFFFFF086;
	s6 =	sadd.s32 @!p0 s3, s7;
	s7 =	simm.s32 @!p0 $0x108  }
0x21: {  	s3 =	sadd.s32 s3, s9;
	s6 =	sadd.s32 @!p0 $0x88, s6;
	s7 =	simm.s32 @p2 $0x1082  }
0x22: {  	[simem:s7], [sflag:s8] =	dma.local @!p0 [hbm:s6], $0xF7A  }
0x23: {  	s9 =	sor.u32 $0xD0000000, s2;
	s6 =	simm.s32 $0x108;
	_ =	swait.ge @!p0 [sflag:s8], $0x0  }
0x24: {  	s3 =	sadd.s32 $0x88, s3;
	s6 =	simm.s32 @!p1 $0x1082;
	[sflag:s4] =	ssyncset.s32 $0xFFFFF086  }
0x25: {  	[simem:s6], [sflag:s4] =	dma.local [hbm:s3], $0xF7A  }
0x26: {  	[smem:$0x3F9A] =	sst s1;
	(tag) =	ssettag s2;
	_ =	strace s9  }
0x27: {  	s1 =	sld [smem:$0x3FAA]  }
0x28: {  	s2 =	sld [smem:$0x3FAB]  }
0x29: {  	s4 =	sld [smem:$0x3FAD]  }
0x2a: {  	p0 =	seq.s32 s5, $0x0;
	s5 =	sld [smem:$0x3FAE]  }
0x2b: {  	s6 =	sld [smem:$0x3FAF]  }
0x2c: {  	s7 =	sld [smem:$0x3FB0]  }
0x2d: {  	s3 =	simm.s32 $0x108;
	s8 =	sld [smem:$0x3FB1]  }
0x2e: {  	s3 =	simm.s32 @!p0 $0x1082;
	s9 =	sld [smem:$0x3FB2]  }
0x2f: {  	lr =	sadd.s32 s0, s3;
	s0 =	sld [smem:$0x3FA9]  }
0x30: {  	s3 =	sld [smem:$0x3FAC]  }
0x31: {  	[smem:$0x3FB5] =	sst s10  }
0x32: {  	s10 =	sld [smem:$0x3FB3];
	_ =	sdelay $0x3  }
0x33: {  	p0 =	seq.s32 s10, $0x1;
	s10 =	sld [smem:$0x3FB5];
	_ =	sdelay $0x3  }
0x34: {  	[smem:$0x3FB5] =	sst s10  }
0x35: {  	s10 =	sld [smem:$0x3FB4];
	_ =	sdelay $0x3  }
0x36: {  	p1 =	seq.s32 s10, $0x1;
	s10 =	sld [smem:$0x3FB5];
	_ =	sdelay $0x3  }
0x37: {  	[smem:$0x3FB5] =	sst s10  }
0x38: {  	s10 =	sld [smem:$0x3FB6]  }
0x39: {  	_ = 	snop;
	(pc) =	sbr.ind lr, $3  }
0x3a: {  	_ = 	snop  }
0x3b: {  	_ = 	snop  }
0x3c: {  	p2 =	seq.s32 s10, $0x1;
	s10 =	sld [smem:$0x3FB5]  }
0x3d: {  	_ =	shalt  }
0x3e: {  	_ =	shalt  }
0x3f: {  	_ =	shalt  }
0x40: {  	_ =	shalt  }
0x41: {  	_ =	shalt  }
0x42: {  	_ =	shalt  }
0x43: {  	_ =	shalt  }
0x44: {  	_ =	shalt  }
0x45: {  	_ =	shalt  }
0x46: {  	_ =	shalt  }
0x47: {  	_ =	shalt  }
0x48: {  	_ =	shalt  }
0x49: {  	_ =	shalt  }
0x4a: {  	_ =	shalt  }
0x4b: {  	_ =	shalt  }
0x4c: {  	_ =	shalt  }
0x4d: {  	_ =	shalt  }
0x4e: {  	_ =	shalt  }
0x4f: {  	_ =	shalt  }
0x50: {  	_ =	shalt  }
0x51: {  	_ =	shalt  }
0x52: {  	_ =	shalt  }
0x53: {  	_ =	shalt  }
0x54: {  	_ =	shalt  }
0x55: {  	_ =	shalt  }
0x56: {  	_ =	shalt  }
0x57: {  	_ =	shalt  }
0x58: {  	_ =	shalt  }
0x59: {  	_ =	shalt  }
0x5a: {  	_ =	shalt  }
0x5b: {  	_ =	shalt  }
0x5c: {  	_ =	shalt  }
0x5d: {  	_ =	shalt  }
0x5e: {  	_ =	shalt  }
0x5f: {  	_ =	shalt  }
0x60: {  	_ =	shalt  }
0x61: {  	_ =	shalt  }
0x62: {  	_ =	shalt  }
0x63: {  	_ =	shalt  }
0x64: {  	_ =	shalt  }
0x65: {  	_ =	shalt  }
0x66: {  	_ =	shalt  }
0x67: {  	_ =	shalt  }
0x68: {  	_ =	shalt  }
0x69: {  	_ =	shalt  }
0x6a: {  	_ =	shalt  }
0x6b: {  	_ =	shalt  }
0x6c: {  	_ =	shalt  }
0x6d: {  	_ =	shalt  }
0x6e: {  	_ =	shalt  }
0x6f: {  	_ =	shalt  }
0x70: {  	_ =	shalt  }
0x71: {  	_ =	shalt  }
0x72: {  	_ =	shalt  }
0x73: {  	_ =	shalt  }
0x74: {  	_ =	shalt  }
0x75: {  	_ =	shalt  }
0x76: {  	_ =	shalt  }
0x77: {  	_ =	shalt  }
0x78: {  	_ =	shalt  }
0x79: {  	_ =	shalt  }
0x7a: {  	_ =	shalt  }
0x7b: {  	_ =	shalt  }
0x7c: {  	_ =	shalt  }
0x7d: {  	_ =	shalt  }
0x7e: {  	_ =	shalt  }
0x7f: {  	_ =	shalt  }
0x80: {  	_ =	shalt  }
0x81: {  	_ =	shalt  }
0x82: {  	_ =	shalt  }
0x83: {  	_ =	shalt  }
0x84: {  	_ =	shalt  }
0x85: {  	_ =	shalt  }
0x86: {  	_ =	shalt  }
0x87: {  	_ =	shalt  }
.Lfunc_end0:
.L_simem_size_0:
called_computation_lowered:
.L_overlay_start_0:
0x88: {  	s2 =	sld [smem:$0x3FD9]  }
0x89: {  	s3 =	sld [smem:$0x3FFE];
	_ =	sdelay $0x1  }
0x8a: {  	s1 =	srdreg.scid  }
0x8b: {  	s0 =	sand.u32 $0x1, s1  }
0x8c: {  	s17 =	sshll.u32 s0, $0xA;
	s2 =	sadd.s32 s3, s2  }
0x8d: {  	s2 =	sadd.s32 s2, s17  }
0x8e: {  	[smem:$0x3FC1] =	sst s2  }
0x8f: {  	_ = 	snop  }
0x90: {  	s2 =	sld [smem:$0x3FC3];
	(tm) =	ssettm $0x1  }
0x91: {  	s18 =	sld [smem:$0x3FFB];
	_ =	sdelay $0x3  }
0x92: {  	_ =	strace s18  }
0x93: {  	s3 =	sld [smem:$0x3FFC];
	_ =	sdelay $0x3  }
0x94: {  	_ =	strace s3  }
0x95: {  	s3 =	sld [smem:$0x3FFD];
	_ =	sdelay $0x3  }
0x96: {  	_ =	strace s3  }
0x97: {  	_ =	strace $0x8FFFFFFF  }
0x98: {  	s19 =	sld [smem:$0x3FDB];
	_ =	sdelay $0x1  }
0x99: {  	s4 =	simm.s32 $_scs_section_size  }
0x9a: {  	s5 =	simm.s32 $_size__tile_overlayer_lowered;
	s6 =	simm.s32 $_tile_overlayer_lowered  }
0x9b: {  	s22 =	simm.s32 $0x1BFF;
	s21 =	sshll.u32 s6, $0x1;
	s3 =	sadd.s32 s4, s19  }
0x9c: {  	s7 =	simm.s32 $0x0;
	s20 =	sshll.u32 s5, $0x1;
	s5 =	sadd.s32 s21, s3  }
0x9d: {  	[timem:s7], [sflag:s22] =	dma.local [hbm:s5], s20  }
0x9e: {  	_ =	swait.ge [sflag:s22], s20  }
0x9f: {  	s4 =	ssub.s32 $0x0, s20;
	[sflag:s22] =	ssyncset.done $0x0  }
0xa0: {  	[sflag:s22] =	ssyncadd.s32 s4;
	_ =	sdelay $0x1  }
0xa1: {  	s23 =	simm.s32 $0x1B8B  }
0xa2: {  	_ =	swait.ge [sflag:s23], $0x1  }
0xa3: {  	[sflag:s23] =	ssyncset.done $0x0  }
0xa4: {  	s25 =	simm.s32 $0x1B8E;
	s24 =	sld [smem:$0x3FFE];
	[sflag:s23] =	ssyncadd.s32 $0xFFFFFFFF  }
0xa5: {  	s26 =	simm.s32 $execute0_lowered;
	[smem:$0x3FD2] =	sst s25  }
0xa6: {  	s5 =	sshll.u32 s26, $0x1;
	_ =	strace $0x80000046;
	[dreg:$0x1] =	wrdreg $0xFFFFFFFF  }
0xa7: {  	s28 =	simm.s32 $_size_execute0_lowered;
	s3 =	sadd.s32 s3, s5;
	[dreg:$0x0] =	wrdreg $0x0  }
0xa8: {  	s5 =	sshll.u32 s28, $0x1;
	[dreg:$0x2] =	wrdreg s3  }
0xa9: {  	[dreg:$0x3] =	wrdreg s5  }
0xaa: {  	[dreg:$0x4] =	wrdreg $0xC0  }
0xab: {  	_ =	task [dreg:s7], $0x5FFFF  }
0xac: {  	[dreg:$0x1] =	wrdreg $0xFFFFFFFF  }
0xad: {  	[dreg:$0x0] =	wrdreg $0x60  }
0xae: {  	[dreg:$0x2] =	wrdreg s2  }
0xaf: {  	[dreg:$0x3] =	wrdreg s24  }
0xb0: {  	[dreg:$0x4] =	wrdreg $0x9  }
0xb1: {  	_ =	task.clear_ibuf [dreg:s7], $0x5FFFF;
	_ =	strace $0x90000046  }
0xb2: {  	s29 =	simm.s32 $0x9;
	_ =	strace $0x80000048  }
0xb3: {  	_ =	swait.ge [sflag:s29], $0x1  }
0xb4: {  	[sflag:s29] =	ssyncadd.s32 $0xFFFFFFFF  }
0xb5: {  	_ =	strace $0x90000048  }
0xb6: {  	_ =	sfence  }
0xb7: {  	s30 =	sld [smem:$0x0];
	_ =	sdelay $0x2  }
0xb8: {  	s31 =	sshll.u32 s1, $0xD;
	s1 =	sshrl.u32 s1, $0x2  }
0xb9: {  	s3 =	sand.u32 $0x4000, s31;
	s1 =	sadd.s32 s1, s30  }
0xba: {  	s0 =	sor.u32 s3, s0;
	s1 =	sshll.u32 s1, $0x11  }
0xbb: {  	s0 =	sor.u32 s1, s0  }
0xbc: {  	s0 =	sadd.s32 $0x8F2B, s0  }
0xbd: {  	[sflag:s0] =	ssyncadd.remote.s32 $0x1  }
0xbe: {  	_ =	sfence.sel $0xFFFF  }
0xbf: {  	[dreg:$0x0] =	wrdreg $0xFFFFFFFF;
	(pc) =	sbr.abs _section_cstart, $3  }
0xc0: {  	[dreg:$0x1] =	wrdreg $0xFFFFFFFF  }
0xc1: {  	_ =	task.clear_ibuf [dreg:s7], $0x2FFFF;
	_ =	strace $0x9FFFFFFF  }
0xc2: {  	(tm) =	ssettm $0x7FFFFFFF  }
0xc3: {  	_ =	shalt  }
tec
execute0_lowered:
.L_overlay_start_1:
0x0: {  	(tag) =	ssettag $0x1  }
0x1: {  	s2 =	rddreg [dreg:$0x0]  }
0x2: {  	s0 =	rddreg [dreg:$0x1]  }
0x3: {  	s1 =	srdreg.scid;
	s4 =	stileid.u32  }
0x4: {  	s3 =	simm.s32 $0x0;
	s1 =	sand.u32 $0x1, s1;
	s4 =	sshll.u32 s4, $0x1  }
0x5: {  	s25 =	simm.s32 $0x1;
	s20 =	simm.s32 $0x3;
	s4 =	sor.u32 s1, s4  }
0x6: {  	s22 =	simm.s32 $0x4;
	s26 =	simm.s32 $0x800;
	s5 =	sshll.u32 s4, $0x8  }
0x7: {  	[smem:$0x7FF] =	sst s3;
	s4 =	sshll.u32 s4, $0x10;
	s5 =	sadd.s32 s5, s0  }
0x8: {  	_ =	strace $0x80000047;
	s0 =	sadd.s32 s4, s0;
	s5 =	sadd.s32 $0x600, s5  }
0x9: {  	s1 =	ssub.s32 $0x2, s1;
	s31 =	sadd.s32 $0x2600, s0;
	[dreg:$0x3] =	wrdreg s5  }
0xa: {  	s30 =	sshrl.u32 s1, $0x1;
	s6 =	sadd.s32 $0x3600, s0;
	[dreg:$0x4] =	wrdreg s31  }
0xb: {  	s1 =	ssub.s32 s1, s30;
	s7 =	sadd.s32 $0x4600, s0;
	[dreg:$0x5] =	wrdreg s6  }
0xc: {  	s4 =	sadd.s32 $0x100, s2;
	s8 =	sadd.s32 $0x5600, s0;
	[dreg:$0x6] =	wrdreg s7  }
0xd: {  	s9 =	sadd.s32 $0x6600, s0;
	s10 =	sadd.s32 $0x7600, s0;
	[dreg:$0x7] =	wrdreg s8  }
0xe: {  	s11 =	sadd.s32 $0x8600, s0;
	s12 =	sadd.s32 $0x9600, s0;
	[dreg:$0x8] =	wrdreg s9  }
0xf: {  	s13 =	sadd.s32 $0xA600, s0;
	s14 =	sadd.s32 $0xB600, s0;
	[dreg:$0x9] =	wrdreg s10  }
0x10: {  	s15 =	sadd.s32 $0xC600, s0;
	s16 =	sadd.s32 $0xD600, s0;
	[dreg:$0xa] =	wrdreg s11  }
0x11: {  	s17 =	sadd.s32 $0xE600, s0;
	s18 =	sadd.s32 $0xF600, s0;
	[dreg:$0xb] =	wrdreg s12  }
0x12: {  	s19 =	sadd.s32 $0x10600, s0;
	s0 =	sadd.s32 $0x11600, s0;
	[dreg:$0xc] =	wrdreg s13  }
0x13: {  	s5 =	sadd.s32 $0x200, s2;
	s6 =	sadd.s32 $0x300, s2;
	[dreg:$0xd] =	wrdreg s14  }
0x14: {  	s7 =	sadd.s32 $0x400, s2;
	s8 =	sadd.s32 $0x500, s2;
	[dreg:$0xe] =	wrdreg s15  }
0x15: {  	s9 =	sadd.s32 $0x600, s2;
	s10 =	sadd.s32 $0x700, s2;
	[dreg:$0xf] =	wrdreg s16  }
0x16: {  	s11 =	sadd.s32 $0x800, s2;
	s12 =	sadd.s32 $0x900, s2;
	[dreg:$0x10] =	wrdreg s17  }
0x17: {  	s13 =	sadd.s32 $0xA00, s2;
	s14 =	sadd.s32 $0xB00, s2;
	[dreg:$0x11] =	wrdreg s18  }
0x18: {  	v0 =	vlaneseq.u32;
	s15 =	sadd.s32 $0xC00, s2;
	s16 =	sadd.s32 $0xD00, s2;
	[dreg:$0x12] =	wrdreg s19  }
0x19: {  	v1 =	vshrl.u32 v0, $0x3;
	s17 =	sadd.s32 $0xE00, s2;
	s18 =	sadd.s32 $0xF00, s2;
	[dreg:$0x13] =	wrdreg s0  }
0x1a: {  	vm0 =	vmmov $0xffff;
	v0 =	vand.u32 $0x7, v0;
	v1 =	vmul.u32 $0x8, v1;
	s0 =	smax.u32 s1, $0x1;
	s1 =	simm.s32 $0x2;
	s2 =	simm.s32 $0x8800  }
.LBB2_1:
0x1b: {  	[dreg:$0x14] =	wrdreg s0  }
0x1c: {  	s23 =	rddreg [dreg:$0x3];
	s30 =	simm.s32 $0x5  }
0x1d: {  	[tilespmem:s3], [sflag:$0x5] =	stream.linear.gather [hbm4b:s23+s3], $0x800, $0x38;
	[tilespmem:$0x10800] =	vst v63  }
0x1e: {  	_ =	swait.ge [sflag:s30], $0x800  }
0x1f: {  	[sflag:s30] =	ssyncset.done $0x0  }
0x20: {  	[sflag:s30] =	ssyncadd.s32 $0xFFFFF800  }
0x21: {  	v2 =	vld.msk [tilespmem:$0x0], $0xff;
	_ =	sdelay $0x4  }
0x22: {  	v3 =	vshll.u32 v2, $0x5  }
0x23: {  	v2 =	vand.u32 $0x7, v2;
	v3 =	vand.u32 $0xFFFFFF00, v3  }
0x24: {  	v2 =	vor.u32 v2, v3  }
0x25: {  	v2 =	vperm.xlane v2, v0;
	_ =	sdelay $0x1  }
0x26: {  	v2 =	vadd.s32 v1, v2;
	_ =	sdelay $0x3  }
0x27: {  	s21 =	rddreg [dreg:$0x0]  }
0x28: {  	[tilespmem:s26], [sflag:$0x1] =	stream.indirect_vreg.gather [hbm4b:s21+s3], $0x80, v2, vm0, $0xb8;
	[tilespmem:$0x10800] =	vst v63  }
0x29: {  	s31 =	simm.s32 $0x1000  }
0x2a: {  	[tilespmem:s31], [sflag:$0x1] =	stream.indirect_vreg.gather [hbm4b:s4+s3], $0x80, v2, vm0, $0xb8;
	[tilespmem:$0x10800] =	vst v63  }
0x2b: {  	s19 =	simm.s32 $0x1800  }
0x2c: {  	[tilespmem:s19], [sflag:$0x1] =	stream.indirect_vreg.gather [hbm4b:s5+s3], $0x80, v2, vm0, $0xb8;
	[tilespmem:$0x10800] =	vst v63  }
0x2d: {  	s23 =	simm.s32 $0x2000  }
0x2e: {  	[tilespmem:s23], [sflag:$0x1] =	stream.indirect_vreg.gather [hbm4b:s6+s3], $0x80, v2, vm0, $0xb8;
	[tilespmem:$0x10800] =	vst v63  }
0x2f: {  	s24 =	simm.s32 $0x2800  }
0x30: {  	[tilespmem:s24], [sflag:$0x1] =	stream.indirect_vreg.gather [hbm4b:s7+s3], $0x80, v2, vm0, $0xb8;
	[tilespmem:$0x10800] =	vst v63  }
0x31: {  	s28 =	simm.s32 $0x3000  }
0x32: {  	[tilespmem:s28], [sflag:$0x1] =	stream.indirect_vreg.gather [hbm4b:s8+s3], $0x80, v2, vm0, $0xb8;
	[tilespmem:$0x10800] =	vst v63  }
0x33: {  	s29 =	simm.s32 $0x3800  }
0x34: {  	[tilespmem:s29], [sflag:$0x1] =	stream.indirect_vreg.gather [hbm4b:s9+s3], $0x80, v2, vm0, $0xb8;
	[tilespmem:$0x10800] =	vst v63  }
0x35: {  	s30 =	simm.s32 $0x4000  }
0x36: {  	[tilespmem:s30], [sflag:$0x1] =	stream.indirect_vreg.gather [hbm4b:s10+s3], $0x80, v2, vm0, $0xb8;
	[tilespmem:$0x10800] =	vst v63  }
0x37: {  	s31 =	simm.s32 $0x4800  }
0x38: {  	[tilespmem:s31], [sflag:$0x1] =	stream.indirect_vreg.gather [hbm4b:s11+s3], $0x80, v2, vm0, $0xb8;
	[tilespmem:$0x10800] =	vst v63  }
0x39: {  	s19 =	simm.s32 $0x5000  }
0x3a: {  	[tilespmem:s19], [sflag:$0x1] =	stream.indirect_vreg.gather [hbm4b:s12+s3], $0x80, v2, vm0, $0xb8;
	[tilespmem:$0x10800] =	vst v63  }
0x3b: {  	s23 =	simm.s32 $0x5800  }
0x3c: {  	[tilespmem:s23], [sflag:$0x1] =	stream.indirect_vreg.gather [hbm4b:s13+s3], $0x80, v2, vm0, $0xb8;
	[tilespmem:$0x10800] =	vst v63  }
0x3d: {  	s24 =	simm.s32 $0x6000  }
0x3e: {  	[tilespmem:s24], [sflag:$0x1] =	stream.indirect_vreg.gather [hbm4b:s14+s3], $0x80, v2, vm0, $0xb8;
	[tilespmem:$0x10800] =	vst v63  }
0x3f: {  	s28 =	simm.s32 $0x6800  }
0x40: {  	[tilespmem:s28], [sflag:$0x1] =	stream.indirect_vreg.gather [hbm4b:s15+s3], $0x80, v2, vm0, $0xb8;
	[tilespmem:$0x10800] =	vst v63  }
0x41: {  	s29 =	simm.s32 $0x7000  }
0x42: {  	[tilespmem:s29], [sflag:$0x1] =	stream.indirect_vreg.gather [hbm4b:s16+s3], $0x80, v2, vm0, $0xb8;
	[tilespmem:$0x10800] =	vst v63  }
0x43: {  	s30 =	simm.s32 $0x7800  }
0x44: {  	[tilespmem:s30], [sflag:$0x1] =	stream.indirect_vreg.gather [hbm4b:s17+s3], $0x80, v2, vm0, $0xb8;
	[tilespmem:$0x10800] =	vst v63  }
0x45: {  	s31 =	simm.s32 $0x8000  }
0x46: {  	[tilespmem:s31], [sflag:$0x1] =	stream.indirect_vreg.gather [hbm4b:s18+s3], $0x80, v2, vm0, $0xb8;
	[tilespmem:$0x10800] =	vst v63  }
0x47: {  	_ =	swait.ge [sflag:s25], $0x8000  }
0x48: {  	[sflag:s25] =	ssyncset.done $0x0  }
0x49: {  	s0 =	rddreg [dreg:$0x4];
	[sflag:s25] =	ssyncadd.s32 $0xFFFF8000  }
0x4a: {  	[hbm4b:s0+s3] =	stream.linear.scatter [tilespmem:s26], [sflag:$0x3], $0x8000, $0x38;
	[tilespmem:$0x10800] =	vst v63  }
0x4b: {  	v2 =	vld.msk [tilespmem:$0x80], $0xff;
	_ =	sdelay $0x4  }
0x4c: {  	v3 =	vshll.u32 v2, $0x5  }
0x4d: {  	v2 =	vand.u32 $0x7, v2;
	v3 =	vand.u32 $0xFFFFFF00, v3  }
0x4e: {  	v2 =	vor.u32 v2, v3  }
0x4f: {  	v2 =	vperm.xlane v2, v0;
	_ =	sdelay $0x1  }
0x50: {  	v2 =	vadd.s32 v1, v2;
	_ =	sdelay $0x4  }
0x51: {  	[tilespmem:s2], [sflag:$0x2] =	stream.indirect_vreg.gather [hbm4b:s21+s3], $0x80, v2, vm0, $0xb8;
	[tilespmem:$0x10800] =	vst v63  }
0x52: {  	s19 =	simm.s32 $0x9000  }
0x53: {  	[tilespmem:s19], [sflag:$0x2] =	stream.indirect_vreg.gather [hbm4b:s4+s3], $0x80, v2, vm0, $0xb8;
	[tilespmem:$0x10800] =	vst v63  }
0x54: {  	s24 =	simm.s32 $0x9800  }
0x55: {  	[tilespmem:s24], [sflag:$0x2] =	stream.indirect_vreg.gather [hbm4b:s5+s3], $0x80, v2, vm0, $0xb8;
	[tilespmem:$0x10800] =	vst v63  }
0x56: {  	s28 =	simm.s32 $0xA000  }
0x57: {  	[tilespmem:s28], [sflag:$0x2] =	stream.indirect_vreg.gather [hbm4b:s6+s3], $0x80, v2, vm0, $0xb8;
	[tilespmem:$0x10800] =	vst v63  }
0x58: {  	s29 =	simm.s32 $0xA800  }
0x59: {  	[tilespmem:s29], [sflag:$0x2] =	stream.indirect_vreg.gather [hbm4b:s7+s3], $0x80, v2, vm0, $0xb8;
	[tilespmem:$0x10800] =	vst v63  }
0x5a: {  	s30 =	simm.s32 $0xB000  }
0x5b: {  	[tilespmem:s30], [sflag:$0x2] =	stream.indirect_vreg.gather [hbm4b:s8+s3], $0x80, v2, vm0, $0xb8;
	[tilespmem:$0x10800] =	vst v63  }
0x5c: {  	s31 =	simm.s32 $0xB800  }
0x5d: {  	[tilespmem:s31], [sflag:$0x2] =	stream.indirect_vreg.gather [hbm4b:s9+s3], $0x80, v2, vm0, $0xb8;
	[tilespmem:$0x10800] =	vst v63  }
0x5e: {  	s0 =	simm.s32 $0xC000  }
0x5f: {  	[tilespmem:s0], [sflag:$0x2] =	stream.indirect_vreg.gather [hbm4b:s10+s3], $0x80, v2, vm0, $0xb8;
	[tilespmem:$0x10800] =	vst v63  }
0x60: {  	s19 =	simm.s32 $0xC800  }
0x61: {  	[tilespmem:s19], [sflag:$0x2] =	stream.indirect_vreg.gather [hbm4b:s11+s3], $0x80, v2, vm0, $0xb8;
	[tilespmem:$0x10800] =	vst v63  }
0x62: {  	s24 =	simm.s32 $0xD000  }
0x63: {  	[tilespmem:s24], [sflag:$0x2] =	stream.indirect_vreg.gather [hbm4b:s12+s3], $0x80, v2, vm0, $0xb8;
	[tilespmem:$0x10800] =	vst v63  }
0x64: {  	s28 =	simm.s32 $0xD800  }
0x65: {  	[tilespmem:s28], [sflag:$0x2] =	stream.indirect_vreg.gather [hbm4b:s13+s3], $0x80, v2, vm0, $0xb8;
	[tilespmem:$0x10800] =	vst v63  }
0x66: {  	s29 =	simm.s32 $0xE000  }
0x67: {  	[tilespmem:s29], [sflag:$0x2] =	stream.indirect_vreg.gather [hbm4b:s14+s3], $0x80, v2, vm0, $0xb8;
	[tilespmem:$0x10800] =	vst v63  }
0x68: {  	s30 =	simm.s32 $0xE800  }
0x69: {  	[tilespmem:s30], [sflag:$0x2] =	stream.indirect_vreg.gather [hbm4b:s15+s3], $0x80, v2, vm0, $0xb8;
	[tilespmem:$0x10800] =	vst v63  }
0x6a: {  	s31 =	simm.s32 $0xF000  }
0x6b: {  	[tilespmem:s31], [sflag:$0x2] =	stream.indirect_vreg.gather [hbm4b:s16+s3], $0x80, v2, vm0, $0xb8;
	[tilespmem:$0x10800] =	vst v63  }
0x6c: {  	s0 =	simm.s32 $0xF800  }
0x6d: {  	[tilespmem:s0], [sflag:$0x2] =	stream.indirect_vreg.gather [hbm4b:s17+s3], $0x80, v2, vm0, $0xb8;
	[tilespmem:$0x10800] =	vst v63  }
0x6e: {  	s19 =	simm.s32 $0x10000  }
0x6f: {  	[tilespmem:s19], [sflag:$0x2] =	stream.indirect_vreg.gather [hbm4b:s18+s3], $0x80, v2, vm0, $0xb8;
	[tilespmem:$0x10800] =	vst v63  }
0x70: {  	_ =	swait.ge [sflag:s1], $0x8000  }
0x71: {  	[sflag:s1] =	ssyncset.done $0x0  }
0x72: {  	s24 =	rddreg [dreg:$0x5];
	[sflag:s1] =	ssyncadd.s32 $0xFFFF8000  }
0x73: {  	[hbm4b:s24+s3] =	stream.linear.scatter [tilespmem:s2], [sflag:$0x4], $0x8000, $0x38;
	[tilespmem:$0x10800] =	vst v63  }
0x74: {  	_ =	swait.ge [sflag:s20], $0x8000  }
0x75: {  	[sflag:s20] =	ssyncset.done $0x0  }
0x76: {  	[sflag:s20] =	ssyncadd.s32 $0xFFFF8000  }
0x77: {  	v2 =	vld.msk [tilespmem:$0x100], $0xff;
	_ =	sdelay $0x4  }
0x78: {  	v3 =	vshll.u32 v2, $0x5  }
0x79: {  	v2 =	vand.u32 $0x7, v2;
	v3 =	vand.u32 $0xFFFFFF00, v3  }
0x7a: {  	v2 =	vor.u32 v2, v3  }
0x7b: {  	v2 =	vperm.xlane v2, v0;
	_ =	sdelay $0x1  }
0x7c: {  	v2 =	vadd.s32 v1, v2;
	_ =	sdelay $0x4  }
0x7d: {  	[tilespmem:s26], [sflag:$0x1] =	stream.indirect_vreg.gather [hbm4b:s21+s3], $0x80, v2, vm0, $0xb8;
	[tilespmem:$0x10800] =	vst v63  }
0x7e: {  	s0 =	simm.s32 $0x1000  }
0x7f: {  	[tilespmem:s0], [sflag:$0x1] =	stream.indirect_vreg.gather [hbm4b:s4+s3], $0x80, v2, vm0, $0xb8;
	[tilespmem:$0x10800] =	vst v63  }
0x80: {  	s19 =	simm.s32 $0x1800  }
0x81: {  	[tilespmem:s19], [sflag:$0x1] =	stream.indirect_vreg.gather [hbm4b:s5+s3], $0x80, v2, vm0, $0xb8;
	[tilespmem:$0x10800] =	vst v63  }
0x82: {  	s28 =	simm.s32 $0x2000  }
0x83: {  	[tilespmem:s28], [sflag:$0x1] =	stream.indirect_vreg.gather [hbm4b:s6+s3], $0x80, v2, vm0, $0xb8;
	[tilespmem:$0x10800] =	vst v63  }
0x84: {  	s29 =	simm.s32 $0x2800  }
0x85: {  	[tilespmem:s29], [sflag:$0x1] =	stream.indirect_vreg.gather [hbm4b:s7+s3], $0x80, v2, vm0, $0xb8;
	[tilespmem:$0x10800] =	vst v63  }
0x86: {  	s30 =	simm.s32 $0x3000  }
0x87: {  	[tilespmem:s30], [sflag:$0x1] =	stream.indirect_vreg.gather [hbm4b:s8+s3], $0x80, v2, vm0, $0xb8;
	[tilespmem:$0x10800] =	vst v63  }
0x88: {  	s31 =	simm.s32 $0x3800  }
0x89: {  	[tilespmem:s31], [sflag:$0x1] =	stream.indirect_vreg.gather [hbm4b:s9+s3], $0x80, v2, vm0, $0xb8;
	[tilespmem:$0x10800] =	vst v63  }
0x8a: {  	s24 =	simm.s32 $0x4000  }
0x8b: {  	[tilespmem:s24], [sflag:$0x1] =	stream.indirect_vreg.gather [hbm4b:s10+s3], $0x80, v2, vm0, $0xb8;
	[tilespmem:$0x10800] =	vst v63  }
0x8c: {  	s23 =	simm.s32 $0x4800  }
0x8d: {  	[tilespmem:s23], [sflag:$0x1] =	stream.indirect_vreg.gather [hbm4b:s11+s3], $0x80, v2, vm0, $0xb8;
	[tilespmem:$0x10800] =	vst v63  }
0x8e: {  	s23 =	simm.s32 $0x5000  }
0x8f: {  	[tilespmem:s23], [sflag:$0x1] =	stream.indirect_vreg.gather [hbm4b:s12+s3], $0x80, v2, vm0, $0xb8;
	[tilespmem:$0x10800] =	vst v63  }
0x90: {  	s23 =	simm.s32 $0x5800  }
0x91: {  	[tilespmem:s23], [sflag:$0x1] =	stream.indirect_vreg.gather [hbm4b:s13+s3], $0x80, v2, vm0, $0xb8;
	[tilespmem:$0x10800] =	vst v63  }
0x92: {  	s23 =	simm.s32 $0x6000  }
0x93: {  	[tilespmem:s23], [sflag:$0x1] =	stream.indirect_vreg.gather [hbm4b:s14+s3], $0x80, v2, vm0, $0xb8;
	[tilespmem:$0x10800] =	vst v63  }
0x94: {  	s23 =	simm.s32 $0x6800  }
0x95: {  	[tilespmem:s23], [sflag:$0x1] =	stream.indirect_vreg.gather [hbm4b:s15+s3], $0x80, v2, vm0, $0xb8;
	[tilespmem:$0x10800] =	vst v63  }
0x96: {  	s23 =	simm.s32 $0x7000  }
0x97: {  	[tilespmem:s23], [sflag:$0x1] =	stream.indirect_vreg.gather [hbm4b:s16+s3], $0x80, v2, vm0, $0xb8;
	[tilespmem:$0x10800] =	vst v63  }
0x98: {  	s23 =	simm.s32 $0x7800  }
0x99: {  	[tilespmem:s23], [sflag:$0x1] =	stream.indirect_vreg.gather [hbm4b:s17+s3], $0x80, v2, vm0, $0xb8;
	[tilespmem:$0x10800] =	vst v63  }
0x9a: {  	s23 =	simm.s32 $0x8000  }
0x9b: {  	[tilespmem:s23], [sflag:$0x1] =	stream.indirect_vreg.gather [hbm4b:s18+s3], $0x80, v2, vm0, $0xb8;
	[tilespmem:$0x10800] =	vst v63  }
0x9c: {  	_ =	swait.ge [sflag:s25], $0x8000  }
0x9d: {  	[sflag:s25] =	ssyncset.done $0x0  }
0x9e: {  	s23 =	rddreg [dreg:$0x6];
	[sflag:s25] =	ssyncadd.s32 $0xFFFF8000  }
0x9f: {  	[hbm4b:s23+s3] =	stream.linear.scatter [tilespmem:s26], [sflag:$0x3], $0x8000, $0x38;
	[tilespmem:$0x10800] =	vst v63  }
0xa0: {  	_ =	swait.ge [sflag:s22], $0x8000  }
0xa1: {  	[sflag:s22] =	ssyncset.done $0x0  }
0xa2: {  	[sflag:s22] =	ssyncadd.s32 $0xFFFF8000  }
0xa3: {  	v2 =	vld.msk [tilespmem:$0x180], $0xff;
	_ =	sdelay $0x4  }
0xa4: {  	v3 =	vshll.u32 v2, $0x5  }
0xa5: {  	v2 =	vand.u32 $0x7, v2;
	v3 =	vand.u32 $0xFFFFFF00, v3  }
0xa6: {  	v2 =	vor.u32 v2, v3  }
0xa7: {  	v2 =	vperm.xlane v2, v0;
	_ =	sdelay $0x1  }
0xa8: {  	v2 =	vadd.s32 v1, v2;
	_ =	sdelay $0x4  }
0xa9: {  	[tilespmem:s2], [sflag:$0x2] =	stream.indirect_vreg.gather [hbm4b:s21+s3], $0x80, v2, vm0, $0xb8;
	[tilespmem:$0x10800] =	vst v63  }
0xaa: {  	s23 =	simm.s32 $0x9000  }
0xab: {  	[tilespmem:s23], [sflag:$0x2] =	stream.indirect_vreg.gather [hbm4b:s4+s3], $0x80, v2, vm0, $0xb8;
	[tilespmem:$0x10800] =	vst v63  }
0xac: {  	s23 =	simm.s32 $0x9800  }
0xad: {  	[tilespmem:s23], [sflag:$0x2] =	stream.indirect_vreg.gather [hbm4b:s5+s3], $0x80, v2, vm0, $0xb8;
	[tilespmem:$0x10800] =	vst v63  }
0xae: {  	s23 =	simm.s32 $0xA000  }
0xaf: {  	[tilespmem:s23], [sflag:$0x2] =	stream.indirect_vreg.gather [hbm4b:s6+s3], $0x80, v2, vm0, $0xb8;
	[tilespmem:$0x10800] =	vst v63  }
0xb0: {  	s23 =	simm.s32 $0xA800  }
0xb1: {  	[tilespmem:s23], [sflag:$0x2] =	stream.indirect_vreg.gather [hbm4b:s7+s3], $0x80, v2, vm0, $0xb8;
	[tilespmem:$0x10800] =	vst v63  }
0xb2: {  	s23 =	simm.s32 $0xB000  }
0xb3: {  	[tilespmem:s23], [sflag:$0x2] =	stream.indirect_vreg.gather [hbm4b:s8+s3], $0x80, v2, vm0, $0xb8;
	[tilespmem:$0x10800] =	vst v63  }
0xb4: {  	s23 =	simm.s32 $0xB800  }
0xb5: {  	[tilespmem:s23], [sflag:$0x2] =	stream.indirect_vreg.gather [hbm4b:s9+s3], $0x80, v2, vm0, $0xb8;
	[tilespmem:$0x10800] =	vst v63  }
0xb6: {  	s23 =	simm.s32 $0xC000  }
0xb7: {  	[tilespmem:s23], [sflag:$0x2] =	stream.indirect_vreg.gather [hbm4b:s10+s3], $0x80, v2, vm0, $0xb8;
	[tilespmem:$0x10800] =	vst v63  }
0xb8: {  	s23 =	simm.s32 $0xC800  }
0xb9: {  	[tilespmem:s23], [sflag:$0x2] =	stream.indirect_vreg.gather [hbm4b:s11+s3], $0x80, v2, vm0, $0xb8;
	[tilespmem:$0x10800] =	vst v63  }
0xba: {  	s23 =	simm.s32 $0xD000  }
0xbb: {  	[tilespmem:s23], [sflag:$0x2] =	stream.indirect_vreg.gather [hbm4b:s12+s3], $0x80, v2, vm0, $0xb8;
	[tilespmem:$0x10800] =	vst v63  }
0xbc: {  	s23 =	simm.s32 $0xD800  }
0xbd: {  	[tilespmem:s23], [sflag:$0x2] =	stream.indirect_vreg.gather [hbm4b:s13+s3], $0x80, v2, vm0, $0xb8;
	[tilespmem:$0x10800] =	vst v63  }
0xbe: {  	s23 =	simm.s32 $0xE000  }
0xbf: {  	[tilespmem:s23], [sflag:$0x2] =	stream.indirect_vreg.gather [hbm4b:s14+s3], $0x80, v2, vm0, $0xb8;
	[tilespmem:$0x10800] =	vst v63  }
0xc0: {  	s23 =	simm.s32 $0xE800  }
0xc1: {  	[tilespmem:s23], [sflag:$0x2] =	stream.indirect_vreg.gather [hbm4b:s15+s3], $0x80, v2, vm0, $0xb8;
	[tilespmem:$0x10800] =	vst v63  }
0xc2: {  	s23 =	simm.s32 $0xF000  }
0xc3: {  	[tilespmem:s23], [sflag:$0x2] =	stream.indirect_vreg.gather [hbm4b:s16+s3], $0x80, v2, vm0, $0xb8;
	[tilespmem:$0x10800] =	vst v63  }
0xc4: {  	s23 =	simm.s32 $0xF800  }
0xc5: {  	[tilespmem:s23], [sflag:$0x2] =	stream.indirect_vreg.gather [hbm4b:s17+s3], $0x80, v2, vm0, $0xb8;
	[tilespmem:$0x10800] =	vst v63  }
0xc6: {  	s23 =	simm.s32 $0x10000  }
0xc7: {  	[tilespmem:s23], [sflag:$0x2] =	stream.indirect_vreg.gather [hbm4b:s18+s3], $0x80, v2, vm0, $0xb8;
	[tilespmem:$0x10800] =	vst v63  }
0xc8: {  	_ =	swait.ge [sflag:s1], $0x8000  }
0xc9: {  	[sflag:s1] =	ssyncset.done $0x0  }
0xca: {  	s23 =	rddreg [dreg:$0x7];
	[sflag:s1] =	ssyncadd.s32 $0xFFFF8000  }
0xcb: {  	[hbm4b:s23+s3] =	stream.linear.scatter [tilespmem:s2], [sflag:$0x4], $0x8000, $0x38;
	[tilespmem:$0x10800] =	vst v63  }
0xcc: {  	_ =	swait.ge [sflag:s20], $0x8000  }
0xcd: {  	[sflag:s20] =	ssyncset.done $0x0  }
0xce: {  	[sflag:s20] =	ssyncadd.s32 $0xFFFF8000  }
0xcf: {  	v2 =	vld.msk [tilespmem:$0x200], $0xff;
	_ =	sdelay $0x4  }
0xd0: {  	v3 =	vshll.u32 v2, $0x5  }
0xd1: {  	v2 =	vand.u32 $0x7, v2;
	v3 =	vand.u32 $0xFFFFFF00, v3  }
0xd2: {  	v2 =	vor.u32 v2, v3  }
0xd3: {  	v2 =	vperm.xlane v2, v0;
	_ =	sdelay $0x1  }
0xd4: {  	v2 =	vadd.s32 v1, v2;
	_ =	sdelay $0x4  }
0xd5: {  	[tilespmem:s26], [sflag:$0x1] =	stream.indirect_vreg.gather [hbm4b:s21+s3], $0x80, v2, vm0, $0xb8;
	[tilespmem:$0x10800] =	vst v63  }
0xd6: {  	_ = 	snop  }
0xd7: {  	[tilespmem:s0], [sflag:$0x1] =	stream.indirect_vreg.gather [hbm4b:s4+s3], $0x80, v2, vm0, $0xb8;
	[tilespmem:$0x10800] =	vst v63  }
0xd8: {  	_ = 	snop  }
0xd9: {  	[tilespmem:s19], [sflag:$0x1] =	stream.indirect_vreg.gather [hbm4b:s5+s3], $0x80, v2, vm0, $0xb8;
	[tilespmem:$0x10800] =	vst v63  }
0xda: {  	_ = 	snop  }
0xdb: {  	[tilespmem:s28], [sflag:$0x1] =	stream.indirect_vreg.gather [hbm4b:s6+s3], $0x80, v2, vm0, $0xb8;
	[tilespmem:$0x10800] =	vst v63  }
0xdc: {  	_ = 	snop  }
0xdd: {  	[tilespmem:s29], [sflag:$0x1] =	stream.indirect_vreg.gather [hbm4b:s7+s3], $0x80, v2, vm0, $0xb8;
	[tilespmem:$0x10800] =	vst v63  }
0xde: {  	_ = 	snop  }
0xdf: {  	[tilespmem:s30], [sflag:$0x1] =	stream.indirect_vreg.gather [hbm4b:s8+s3], $0x80, v2, vm0, $0xb8;
	[tilespmem:$0x10800] =	vst v63  }
0xe0: {  	_ = 	snop  }
0xe1: {  	[tilespmem:s31], [sflag:$0x1] =	stream.indirect_vreg.gather [hbm4b:s9+s3], $0x80, v2, vm0, $0xb8;
	[tilespmem:$0x10800] =	vst v63  }
0xe2: {  	_ = 	snop  }
0xe3: {  	[tilespmem:s24], [sflag:$0x1] =	stream.indirect_vreg.gather [hbm4b:s10+s3], $0x80, v2, vm0, $0xb8;
	[tilespmem:$0x10800] =	vst v63  }
0xe4: {  	s28 =	simm.s32 $0x4800  }
0xe5: {  	[tilespmem:s28], [sflag:$0x1] =	stream.indirect_vreg.gather [hbm4b:s11+s3], $0x80, v2, vm0, $0xb8;
	[tilespmem:$0x10800] =	vst v63  }
0xe6: {  	s23 =	simm.s32 $0x5000  }
0xe7: {  	[tilespmem:s23], [sflag:$0x1] =	stream.indirect_vreg.gather [hbm4b:s12+s3], $0x80, v2, vm0, $0xb8;
	[tilespmem:$0x10800] =	vst v63  }
0xe8: {  	s23 =	simm.s32 $0x5800  }
0xe9: {  	[tilespmem:s23], [sflag:$0x1] =	stream.indirect_vreg.gather [hbm4b:s13+s3], $0x80, v2, vm0, $0xb8;
	[tilespmem:$0x10800] =	vst v63  }
0xea: {  	s23 =	simm.s32 $0x6000  }
0xeb: {  	[tilespmem:s23], [sflag:$0x1] =	stream.indirect_vreg.gather [hbm4b:s14+s3], $0x80, v2, vm0, $0xb8;
	[tilespmem:$0x10800] =	vst v63  }
0xec: {  	s23 =	simm.s32 $0x6800  }
0xed: {  	[tilespmem:s23], [sflag:$0x1] =	stream.indirect_vreg.gather [hbm4b:s15+s3], $0x80, v2, vm0, $0xb8;
	[tilespmem:$0x10800] =	vst v63  }
0xee: {  	s23 =	simm.s32 $0x7000  }
0xef: {  	[tilespmem:s23], [sflag:$0x1] =	stream.indirect_vreg.gather [hbm4b:s16+s3], $0x80, v2, vm0, $0xb8;
	[tilespmem:$0x10800] =	vst v63  }
0xf0: {  	s23 =	simm.s32 $0x7800  }
0xf1: {  	[tilespmem:s23], [sflag:$0x1] =	stream.indirect_vreg.gather [hbm4b:s17+s3], $0x80, v2, vm0, $0xb8;
	[tilespmem:$0x10800] =	vst v63  }
0xf2: {  	s23 =	simm.s32 $0x8000  }
0xf3: {  	[tilespmem:s23], [sflag:$0x1] =	stream.indirect_vreg.gather [hbm4b:s18+s3], $0x80, v2, vm0, $0xb8;
	[tilespmem:$0x10800] =	vst v63  }
0xf4: {  	_ =	swait.ge [sflag:s25], $0x8000  }
0xf5: {  	[sflag:s25] =	ssyncset.done $0x0  }
0xf6: {  	s23 =	rddreg [dreg:$0x8];
	[sflag:s25] =	ssyncadd.s32 $0xFFFF8000  }
0xf7: {  	[hbm4b:s23+s3] =	stream.linear.scatter [tilespmem:s26], [sflag:$0x3], $0x8000, $0x38;
	[tilespmem:$0x10800] =	vst v63  }
0xf8: {  	_ =	swait.ge [sflag:s22], $0x8000  }
0xf9: {  	[sflag:s22] =	ssyncset.done $0x0  }
0xfa: {  	[sflag:s22] =	ssyncadd.s32 $0xFFFF8000  }
0xfb: {  	v2 =	vld.msk [tilespmem:$0x280], $0xff;
	_ =	sdelay $0x4  }
0xfc: {  	v3 =	vshll.u32 v2, $0x5  }
0xfd: {  	v2 =	vand.u32 $0x7, v2;
	v3 =	vand.u32 $0xFFFFFF00, v3  }
0xfe: {  	v2 =	vor.u32 v2, v3  }
0xff: {  	v2 =	vperm.xlane v2, v0;
	_ =	sdelay $0x1  }
0x100: {  	v2 =	vadd.s32 v1, v2;
	_ =	sdelay $0x4  }
0x101: {  	[tilespmem:s2], [sflag:$0x2] =	stream.indirect_vreg.gather [hbm4b:s21+s3], $0x80, v2, vm0, $0xb8;
	[tilespmem:$0x10800] =	vst v63  }
0x102: {  	s23 =	simm.s32 $0x9000  }
0x103: {  	[tilespmem:s23], [sflag:$0x2] =	stream.indirect_vreg.gather [hbm4b:s4+s3], $0x80, v2, vm0, $0xb8;
	[tilespmem:$0x10800] =	vst v63  }
0x104: {  	s23 =	simm.s32 $0x9800  }
0x105: {  	[tilespmem:s23], [sflag:$0x2] =	stream.indirect_vreg.gather [hbm4b:s5+s3], $0x80, v2, vm0, $0xb8;
	[tilespmem:$0x10800] =	vst v63  }
0x106: {  	s23 =	simm.s32 $0xA000  }
0x107: {  	[tilespmem:s23], [sflag:$0x2] =	stream.indirect_vreg.gather [hbm4b:s6+s3], $0x80, v2, vm0, $0xb8;
	[tilespmem:$0x10800] =	vst v63  }
0x108: {  	s23 =	simm.s32 $0xA800  }
0x109: {  	[tilespmem:s23], [sflag:$0x2] =	stream.indirect_vreg.gather [hbm4b:s7+s3], $0x80, v2, vm0, $0xb8;
	[tilespmem:$0x10800] =	vst v63  }
0x10a: {  	s23 =	simm.s32 $0xB000  }
0x10b: {  	[tilespmem:s23], [sflag:$0x2] =	stream.indirect_vreg.gather [hbm4b:s8+s3], $0x80, v2, vm0, $0xb8;
	[tilespmem:$0x10800] =	vst v63  }
0x10c: {  	s23 =	simm.s32 $0xB800  }
0x10d: {  	[tilespmem:s23], [sflag:$0x2] =	stream.indirect_vreg.gather [hbm4b:s9+s3], $0x80, v2, vm0, $0xb8;
	[tilespmem:$0x10800] =	vst v63  }
0x10e: {  	s23 =	simm.s32 $0xC000  }
0x10f: {  	[tilespmem:s23], [sflag:$0x2] =	stream.indirect_vreg.gather [hbm4b:s10+s3], $0x80, v2, vm0, $0xb8;
	[tilespmem:$0x10800] =	vst v63  }
0x110: {  	s23 =	simm.s32 $0xC800  }
0x111: {  	[tilespmem:s23], [sflag:$0x2] =	stream.indirect_vreg.gather [hbm4b:s11+s3], $0x80, v2, vm0, $0xb8;
	[tilespmem:$0x10800] =	vst v63  }
0x112: {  	s23 =	simm.s32 $0xD000  }
0x113: {  	[tilespmem:s23], [sflag:$0x2] =	stream.indirect_vreg.gather [hbm4b:s12+s3], $0x80, v2, vm0, $0xb8;
	[tilespmem:$0x10800] =	vst v63  }
0x114: {  	s23 =	simm.s32 $0xD800  }
0x115: {  	[tilespmem:s23], [sflag:$0x2] =	stream.indirect_vreg.gather [hbm4b:s13+s3], $0x80, v2, vm0, $0xb8;
	[tilespmem:$0x10800] =	vst v63  }
0x116: {  	s23 =	simm.s32 $0xE000  }
0x117: {  	[tilespmem:s23], [sflag:$0x2] =	stream.indirect_vreg.gather [hbm4b:s14+s3], $0x80, v2, vm0, $0xb8;
	[tilespmem:$0x10800] =	vst v63  }
0x118: {  	s23 =	simm.s32 $0xE800  }
0x119: {  	[tilespmem:s23], [sflag:$0x2] =	stream.indirect_vreg.gather [hbm4b:s15+s3], $0x80, v2, vm0, $0xb8;
	[tilespmem:$0x10800] =	vst v63  }
0x11a: {  	s23 =	simm.s32 $0xF000  }
0x11b: {  	[tilespmem:s23], [sflag:$0x2] =	stream.indirect_vreg.gather [hbm4b:s16+s3], $0x80, v2, vm0, $0xb8;
	[tilespmem:$0x10800] =	vst v63  }
0x11c: {  	s23 =	simm.s32 $0xF800  }
0x11d: {  	[tilespmem:s23], [sflag:$0x2] =	stream.indirect_vreg.gather [hbm4b:s17+s3], $0x80, v2, vm0, $0xb8;
	[tilespmem:$0x10800] =	vst v63  }
0x11e: {  	s23 =	simm.s32 $0x10000  }
0x11f: {  	[tilespmem:s23], [sflag:$0x2] =	stream.indirect_vreg.gather [hbm4b:s18+s3], $0x80, v2, vm0, $0xb8;
	[tilespmem:$0x10800] =	vst v63  }
0x120: {  	_ =	swait.ge [sflag:s1], $0x8000  }
0x121: {  	[sflag:s1] =	ssyncset.done $0x0  }
0x122: {  	s23 =	rddreg [dreg:$0x9];
	[sflag:s1] =	ssyncadd.s32 $0xFFFF8000  }
0x123: {  	[hbm4b:s23+s3] =	stream.linear.scatter [tilespmem:s2], [sflag:$0x4], $0x8000, $0x38;
	[tilespmem:$0x10800] =	vst v63  }
0x124: {  	_ =	swait.ge [sflag:s20], $0x8000  }
0x125: {  	[sflag:s20] =	ssyncset.done $0x0  }
0x126: {  	[sflag:s20] =	ssyncadd.s32 $0xFFFF8000  }
0x127: {  	v2 =	vld.msk [tilespmem:$0x300], $0xff;
	_ =	sdelay $0x4  }
0x128: {  	v3 =	vshll.u32 v2, $0x5  }
0x129: {  	v2 =	vand.u32 $0x7, v2;
	v3 =	vand.u32 $0xFFFFFF00, v3  }
0x12a: {  	v2 =	vor.u32 v2, v3  }
0x12b: {  	v2 =	vperm.xlane v2, v0;
	_ =	sdelay $0x1  }
0x12c: {  	v2 =	vadd.s32 v1, v2;
	_ =	sdelay $0x4  }
0x12d: {  	[tilespmem:s26], [sflag:$0x1] =	stream.indirect_vreg.gather [hbm4b:s21+s3], $0x80, v2, vm0, $0xb8;
	[tilespmem:$0x10800] =	vst v63  }
0x12e: {  	s23 =	simm.s32 $0x1000  }
0x12f: {  	[tilespmem:s23], [sflag:$0x1] =	stream.indirect_vreg.gather [hbm4b:s4+s3], $0x80, v2, vm0, $0xb8;
	[tilespmem:$0x10800] =	vst v63  }
0x130: {  	s19 =	simm.s32 $0x1800  }
0x131: {  	[tilespmem:s19], [sflag:$0x1] =	stream.indirect_vreg.gather [hbm4b:s5+s3], $0x80, v2, vm0, $0xb8;
	[tilespmem:$0x10800] =	vst v63  }
0x132: {  	s0 =	simm.s32 $0x2000  }
0x133: {  	[tilespmem:s0], [sflag:$0x1] =	stream.indirect_vreg.gather [hbm4b:s6+s3], $0x80, v2, vm0, $0xb8;
	[tilespmem:$0x10800] =	vst v63  }
0x134: {  	s29 =	simm.s32 $0x2800  }
0x135: {  	[tilespmem:s29], [sflag:$0x1] =	stream.indirect_vreg.gather [hbm4b:s7+s3], $0x80, v2, vm0, $0xb8;
	[tilespmem:$0x10800] =	vst v63  }
0x136: {  	s30 =	simm.s32 $0x3000  }
0x137: {  	[tilespmem:s30], [sflag:$0x1] =	stream.indirect_vreg.gather [hbm4b:s8+s3], $0x80, v2, vm0, $0xb8;
	[tilespmem:$0x10800] =	vst v63  }
0x138: {  	s31 =	simm.s32 $0x3800  }
0x139: {  	[tilespmem:s31], [sflag:$0x1] =	stream.indirect_vreg.gather [hbm4b:s9+s3], $0x80, v2, vm0, $0xb8;
	[tilespmem:$0x10800] =	vst v63  }
0x13a: {  	s24 =	simm.s32 $0x4000  }
0x13b: {  	[tilespmem:s24], [sflag:$0x1] =	stream.indirect_vreg.gather [hbm4b:s10+s3], $0x80, v2, vm0, $0xb8;
	[tilespmem:$0x10800] =	vst v63  }
0x13c: {  	s28 =	simm.s32 $0x4800  }
0x13d: {  	[tilespmem:s28], [sflag:$0x1] =	stream.indirect_vreg.gather [hbm4b:s11+s3], $0x80, v2, vm0, $0xb8;
	[tilespmem:$0x10800] =	vst v63  }
0x13e: {  	s28 =	simm.s32 $0x5000  }
0x13f: {  	[tilespmem:s28], [sflag:$0x1] =	stream.indirect_vreg.gather [hbm4b:s12+s3], $0x80, v2, vm0, $0xb8;
	[tilespmem:$0x10800] =	vst v63  }
0x140: {  	s23 =	simm.s32 $0x5800  }
0x141: {  	[tilespmem:s23], [sflag:$0x1] =	stream.indirect_vreg.gather [hbm4b:s13+s3], $0x80, v2, vm0, $0xb8;
	[tilespmem:$0x10800] =	vst v63  }
0x142: {  	s23 =	simm.s32 $0x6000  }
0x143: {  	[tilespmem:s23], [sflag:$0x1] =	stream.indirect_vreg.gather [hbm4b:s14+s3], $0x80, v2, vm0, $0xb8;
	[tilespmem:$0x10800] =	vst v63  }
0x144: {  	s23 =	simm.s32 $0x6800  }
0x145: {  	[tilespmem:s23], [sflag:$0x1] =	stream.indirect_vreg.gather [hbm4b:s15+s3], $0x80, v2, vm0, $0xb8;
	[tilespmem:$0x10800] =	vst v63  }
0x146: {  	s23 =	simm.s32 $0x7000  }
0x147: {  	[tilespmem:s23], [sflag:$0x1] =	stream.indirect_vreg.gather [hbm4b:s16+s3], $0x80, v2, vm0, $0xb8;
	[tilespmem:$0x10800] =	vst v63  }
0x148: {  	s23 =	simm.s32 $0x7800  }
0x149: {  	[tilespmem:s23], [sflag:$0x1] =	stream.indirect_vreg.gather [hbm4b:s17+s3], $0x80, v2, vm0, $0xb8;
	[tilespmem:$0x10800] =	vst v63  }
0x14a: {  	s23 =	simm.s32 $0x8000  }
0x14b: {  	[tilespmem:s23], [sflag:$0x1] =	stream.indirect_vreg.gather [hbm4b:s18+s3], $0x80, v2, vm0, $0xb8;
	[tilespmem:$0x10800] =	vst v63  }
0x14c: {  	_ =	swait.ge [sflag:s25], $0x8000  }
0x14d: {  	[sflag:s25] =	ssyncset.done $0x0  }
0x14e: {  	s23 =	rddreg [dreg:$0xa];
	[sflag:s25] =	ssyncadd.s32 $0xFFFF8000  }
0x14f: {  	[hbm4b:s23+s3] =	stream.linear.scatter [tilespmem:s26], [sflag:$0x3], $0x8000, $0x38;
	[tilespmem:$0x10800] =	vst v63  }
0x150: {  	_ =	swait.ge [sflag:s22], $0x8000  }
0x151: {  	[sflag:s22] =	ssyncset.done $0x0  }
0x152: {  	[sflag:s22] =	ssyncadd.s32 $0xFFFF8000  }
0x153: {  	v2 =	vld.msk [tilespmem:$0x380], $0xff;
	_ =	sdelay $0x4  }
0x154: {  	v3 =	vshll.u32 v2, $0x5  }
0x155: {  	v2 =	vand.u32 $0x7, v2;
	v3 =	vand.u32 $0xFFFFFF00, v3  }
0x156: {  	v2 =	vor.u32 v2, v3  }
0x157: {  	v2 =	vperm.xlane v2, v0;
	_ =	sdelay $0x1  }
0x158: {  	v2 =	vadd.s32 v1, v2;
	_ =	sdelay $0x4  }
0x159: {  	[tilespmem:s2], [sflag:$0x2] =	stream.indirect_vreg.gather [hbm4b:s21+s3], $0x80, v2, vm0, $0xb8;
	[tilespmem:$0x10800] =	vst v63  }
0x15a: {  	s23 =	simm.s32 $0x9000  }
0x15b: {  	[tilespmem:s23], [sflag:$0x2] =	stream.indirect_vreg.gather [hbm4b:s4+s3], $0x80, v2, vm0, $0xb8;
	[tilespmem:$0x10800] =	vst v63  }
0x15c: {  	s23 =	simm.s32 $0x9800  }
0x15d: {  	[tilespmem:s23], [sflag:$0x2] =	stream.indirect_vreg.gather [hbm4b:s5+s3], $0x80, v2, vm0, $0xb8;
	[tilespmem:$0x10800] =	vst v63  }
0x15e: {  	s23 =	simm.s32 $0xA000  }
0x15f: {  	[tilespmem:s23], [sflag:$0x2] =	stream.indirect_vreg.gather [hbm4b:s6+s3], $0x80, v2, vm0, $0xb8;
	[tilespmem:$0x10800] =	vst v63  }
0x160: {  	s23 =	simm.s32 $0xA800  }
0x161: {  	[tilespmem:s23], [sflag:$0x2] =	stream.indirect_vreg.gather [hbm4b:s7+s3], $0x80, v2, vm0, $0xb8;
	[tilespmem:$0x10800] =	vst v63  }
0x162: {  	s23 =	simm.s32 $0xB000  }
0x163: {  	[tilespmem:s23], [sflag:$0x2] =	stream.indirect_vreg.gather [hbm4b:s8+s3], $0x80, v2, vm0, $0xb8;
	[tilespmem:$0x10800] =	vst v63  }
0x164: {  	s23 =	simm.s32 $0xB800  }
0x165: {  	[tilespmem:s23], [sflag:$0x2] =	stream.indirect_vreg.gather [hbm4b:s9+s3], $0x80, v2, vm0, $0xb8;
	[tilespmem:$0x10800] =	vst v63  }
0x166: {  	s23 =	simm.s32 $0xC000  }
0x167: {  	[tilespmem:s23], [sflag:$0x2] =	stream.indirect_vreg.gather [hbm4b:s10+s3], $0x80, v2, vm0, $0xb8;
	[tilespmem:$0x10800] =	vst v63  }
0x168: {  	s23 =	simm.s32 $0xC800  }
0x169: {  	[tilespmem:s23], [sflag:$0x2] =	stream.indirect_vreg.gather [hbm4b:s11+s3], $0x80, v2, vm0, $0xb8;
	[tilespmem:$0x10800] =	vst v63  }
0x16a: {  	s23 =	simm.s32 $0xD000  }
0x16b: {  	[tilespmem:s23], [sflag:$0x2] =	stream.indirect_vreg.gather [hbm4b:s12+s3], $0x80, v2, vm0, $0xb8;
	[tilespmem:$0x10800] =	vst v63  }
0x16c: {  	s23 =	simm.s32 $0xD800  }
0x16d: {  	[tilespmem:s23], [sflag:$0x2] =	stream.indirect_vreg.gather [hbm4b:s13+s3], $0x80, v2, vm0, $0xb8;
	[tilespmem:$0x10800] =	vst v63  }
0x16e: {  	s23 =	simm.s32 $0xE000  }
0x16f: {  	[tilespmem:s23], [sflag:$0x2] =	stream.indirect_vreg.gather [hbm4b:s14+s3], $0x80, v2, vm0, $0xb8;
	[tilespmem:$0x10800] =	vst v63  }
0x170: {  	s23 =	simm.s32 $0xE800  }
0x171: {  	[tilespmem:s23], [sflag:$0x2] =	stream.indirect_vreg.gather [hbm4b:s15+s3], $0x80, v2, vm0, $0xb8;
	[tilespmem:$0x10800] =	vst v63  }
0x172: {  	s23 =	simm.s32 $0xF000  }
0x173: {  	[tilespmem:s23], [sflag:$0x2] =	stream.indirect_vreg.gather [hbm4b:s16+s3], $0x80, v2, vm0, $0xb8;
	[tilespmem:$0x10800] =	vst v63  }
0x174: {  	s23 =	simm.s32 $0xF800  }
0x175: {  	[tilespmem:s23], [sflag:$0x2] =	stream.indirect_vreg.gather [hbm4b:s17+s3], $0x80, v2, vm0, $0xb8;
	[tilespmem:$0x10800] =	vst v63  }
0x176: {  	s23 =	simm.s32 $0x10000  }
0x177: {  	[tilespmem:s23], [sflag:$0x2] =	stream.indirect_vreg.gather [hbm4b:s18+s3], $0x80, v2, vm0, $0xb8;
	[tilespmem:$0x10800] =	vst v63  }
0x178: {  	_ =	swait.ge [sflag:s1], $0x8000  }
0x179: {  	[sflag:s1] =	ssyncset.done $0x0  }
0x17a: {  	s23 =	rddreg [dreg:$0xb];
	[sflag:s1] =	ssyncadd.s32 $0xFFFF8000  }
0x17b: {  	[hbm4b:s23+s3] =	stream.linear.scatter [tilespmem:s2], [sflag:$0x4], $0x8000, $0x38;
	[tilespmem:$0x10800] =	vst v63  }
0x17c: {  	_ =	swait.ge [sflag:s20], $0x8000  }
0x17d: {  	[sflag:s20] =	ssyncset.done $0x0  }
0x17e: {  	[sflag:s20] =	ssyncadd.s32 $0xFFFF8000  }
0x17f: {  	v2 =	vld.msk [tilespmem:$0x400], $0xff;
	_ =	sdelay $0x4  }
0x180: {  	v3 =	vshll.u32 v2, $0x5  }
0x181: {  	v2 =	vand.u32 $0x7, v2;
	v3 =	vand.u32 $0xFFFFFF00, v3  }
0x182: {  	v2 =	vor.u32 v2, v3  }
0x183: {  	v2 =	vperm.xlane v2, v0;
	_ =	sdelay $0x1  }
0x184: {  	v2 =	vadd.s32 v1, v2;
	_ =	sdelay $0x4  }
0x185: {  	[tilespmem:s26], [sflag:$0x1] =	stream.indirect_vreg.gather [hbm4b:s21+s3], $0x80, v2, vm0, $0xb8;
	[tilespmem:$0x10800] =	vst v63  }
0x186: {  	s23 =	simm.s32 $0x1000  }
0x187: {  	[tilespmem:s23], [sflag:$0x1] =	stream.indirect_vreg.gather [hbm4b:s4+s3], $0x80, v2, vm0, $0xb8;
	[tilespmem:$0x10800] =	vst v63  }
0x188: {  	s19 =	simm.s32 $0x1800  }
0x189: {  	[tilespmem:s19], [sflag:$0x1] =	stream.indirect_vreg.gather [hbm4b:s5+s3], $0x80, v2, vm0, $0xb8;
	[tilespmem:$0x10800] =	vst v63  }
0x18a: {  	s0 =	simm.s32 $0x2000  }
0x18b: {  	[tilespmem:s0], [sflag:$0x1] =	stream.indirect_vreg.gather [hbm4b:s6+s3], $0x80, v2, vm0, $0xb8;
	[tilespmem:$0x10800] =	vst v63  }
0x18c: {  	s23 =	simm.s32 $0x2800  }
0x18d: {  	[tilespmem:s23], [sflag:$0x1] =	stream.indirect_vreg.gather [hbm4b:s7+s3], $0x80, v2, vm0, $0xb8;
	[tilespmem:$0x10800] =	vst v63  }
0x18e: {  	s30 =	simm.s32 $0x3000  }
0x18f: {  	[tilespmem:s30], [sflag:$0x1] =	stream.indirect_vreg.gather [hbm4b:s8+s3], $0x80, v2, vm0, $0xb8;
	[tilespmem:$0x10800] =	vst v63  }
0x190: {  	s31 =	simm.s32 $0x3800  }
0x191: {  	[tilespmem:s31], [sflag:$0x1] =	stream.indirect_vreg.gather [hbm4b:s9+s3], $0x80, v2, vm0, $0xb8;
	[tilespmem:$0x10800] =	vst v63  }
0x192: {  	s29 =	simm.s32 $0x4000  }
0x193: {  	[tilespmem:s29], [sflag:$0x1] =	stream.indirect_vreg.gather [hbm4b:s10+s3], $0x80, v2, vm0, $0xb8;
	[tilespmem:$0x10800] =	vst v63  }
0x194: {  	s24 =	simm.s32 $0x4800  }
0x195: {  	[tilespmem:s24], [sflag:$0x1] =	stream.indirect_vreg.gather [hbm4b:s11+s3], $0x80, v2, vm0, $0xb8;
	[tilespmem:$0x10800] =	vst v63  }
0x196: {  	s28 =	simm.s32 $0x5000  }
0x197: {  	[tilespmem:s28], [sflag:$0x1] =	stream.indirect_vreg.gather [hbm4b:s12+s3], $0x80, v2, vm0, $0xb8;
	[tilespmem:$0x10800] =	vst v63  }
0x198: {  	s29 =	simm.s32 $0x5800  }
0x199: {  	[tilespmem:s29], [sflag:$0x1] =	stream.indirect_vreg.gather [hbm4b:s13+s3], $0x80, v2, vm0, $0xb8;
	[tilespmem:$0x10800] =	vst v63  }
0x19a: {  	s23 =	simm.s32 $0x6000  }
0x19b: {  	[tilespmem:s23], [sflag:$0x1] =	stream.indirect_vreg.gather [hbm4b:s14+s3], $0x80, v2, vm0, $0xb8;
	[tilespmem:$0x10800] =	vst v63  }
0x19c: {  	s23 =	simm.s32 $0x6800  }
0x19d: {  	[tilespmem:s23], [sflag:$0x1] =	stream.indirect_vreg.gather [hbm4b:s15+s3], $0x80, v2, vm0, $0xb8;
	[tilespmem:$0x10800] =	vst v63  }
0x19e: {  	s23 =	simm.s32 $0x7000  }
0x19f: {  	[tilespmem:s23], [sflag:$0x1] =	stream.indirect_vreg.gather [hbm4b:s16+s3], $0x80, v2, vm0, $0xb8;
	[tilespmem:$0x10800] =	vst v63  }
0x1a0: {  	s23 =	simm.s32 $0x7800  }
0x1a1: {  	[tilespmem:s23], [sflag:$0x1] =	stream.indirect_vreg.gather [hbm4b:s17+s3], $0x80, v2, vm0, $0xb8;
	[tilespmem:$0x10800] =	vst v63  }
0x1a2: {  	s23 =	simm.s32 $0x8000  }
0x1a3: {  	[tilespmem:s23], [sflag:$0x1] =	stream.indirect_vreg.gather [hbm4b:s18+s3], $0x80, v2, vm0, $0xb8;
	[tilespmem:$0x10800] =	vst v63  }
0x1a4: {  	_ =	swait.ge [sflag:s25], $0x8000  }
0x1a5: {  	[sflag:s25] =	ssyncset.done $0x0  }
0x1a6: {  	s23 =	rddreg [dreg:$0xc];
	[sflag:s25] =	ssyncadd.s32 $0xFFFF8000  }
0x1a7: {  	[hbm4b:s23+s3] =	stream.linear.scatter [tilespmem:s26], [sflag:$0x3], $0x8000, $0x38;
	[tilespmem:$0x10800] =	vst v63  }
0x1a8: {  	_ =	swait.ge [sflag:s22], $0x8000  }
0x1a9: {  	[sflag:s22] =	ssyncset.done $0x0  }
0x1aa: {  	[sflag:s22] =	ssyncadd.s32 $0xFFFF8000  }
0x1ab: {  	v2 =	vld.msk [tilespmem:$0x480], $0xff;
	_ =	sdelay $0x4  }
0x1ac: {  	v3 =	vshll.u32 v2, $0x5  }
0x1ad: {  	v2 =	vand.u32 $0x7, v2;
	v3 =	vand.u32 $0xFFFFFF00, v3  }
0x1ae: {  	v2 =	vor.u32 v2, v3  }
0x1af: {  	v2 =	vperm.xlane v2, v0;
	_ =	sdelay $0x1  }
0x1b0: {  	v2 =	vadd.s32 v1, v2;
	_ =	sdelay $0x4  }
0x1b1: {  	[tilespmem:s2], [sflag:$0x2] =	stream.indirect_vreg.gather [hbm4b:s21+s3], $0x80, v2, vm0, $0xb8;
	[tilespmem:$0x10800] =	vst v63  }
0x1b2: {  	s23 =	simm.s32 $0x9000  }
0x1b3: {  	[tilespmem:s23], [sflag:$0x2] =	stream.indirect_vreg.gather [hbm4b:s4+s3], $0x80, v2, vm0, $0xb8;
	[tilespmem:$0x10800] =	vst v63  }
0x1b4: {  	s23 =	simm.s32 $0x9800  }
0x1b5: {  	[tilespmem:s23], [sflag:$0x2] =	stream.indirect_vreg.gather [hbm4b:s5+s3], $0x80, v2, vm0, $0xb8;
	[tilespmem:$0x10800] =	vst v63  }
0x1b6: {  	s23 =	simm.s32 $0xA000  }
0x1b7: {  	[tilespmem:s23], [sflag:$0x2] =	stream.indirect_vreg.gather [hbm4b:s6+s3], $0x80, v2, vm0, $0xb8;
	[tilespmem:$0x10800] =	vst v63  }
0x1b8: {  	s23 =	simm.s32 $0xA800  }
0x1b9: {  	[tilespmem:s23], [sflag:$0x2] =	stream.indirect_vreg.gather [hbm4b:s7+s3], $0x80, v2, vm0, $0xb8;
	[tilespmem:$0x10800] =	vst v63  }
0x1ba: {  	s23 =	simm.s32 $0xB000  }
0x1bb: {  	[tilespmem:s23], [sflag:$0x2] =	stream.indirect_vreg.gather [hbm4b:s8+s3], $0x80, v2, vm0, $0xb8;
	[tilespmem:$0x10800] =	vst v63  }
0x1bc: {  	s23 =	simm.s32 $0xB800  }
0x1bd: {  	[tilespmem:s23], [sflag:$0x2] =	stream.indirect_vreg.gather [hbm4b:s9+s3], $0x80, v2, vm0, $0xb8;
	[tilespmem:$0x10800] =	vst v63  }
0x1be: {  	s23 =	simm.s32 $0xC000  }
0x1bf: {  	[tilespmem:s23], [sflag:$0x2] =	stream.indirect_vreg.gather [hbm4b:s10+s3], $0x80, v2, vm0, $0xb8;
	[tilespmem:$0x10800] =	vst v63  }
0x1c0: {  	s23 =	simm.s32 $0xC800  }
0x1c1: {  	[tilespmem:s23], [sflag:$0x2] =	stream.indirect_vreg.gather [hbm4b:s11+s3], $0x80, v2, vm0, $0xb8;
	[tilespmem:$0x10800] =	vst v63  }
0x1c2: {  	s23 =	simm.s32 $0xD000  }
0x1c3: {  	[tilespmem:s23], [sflag:$0x2] =	stream.indirect_vreg.gather [hbm4b:s12+s3], $0x80, v2, vm0, $0xb8;
	[tilespmem:$0x10800] =	vst v63  }
0x1c4: {  	s23 =	simm.s32 $0xD800  }
0x1c5: {  	[tilespmem:s23], [sflag:$0x2] =	stream.indirect_vreg.gather [hbm4b:s13+s3], $0x80, v2, vm0, $0xb8;
	[tilespmem:$0x10800] =	vst v63  }
0x1c6: {  	s23 =	simm.s32 $0xE000  }
0x1c7: {  	[tilespmem:s23], [sflag:$0x2] =	stream.indirect_vreg.gather [hbm4b:s14+s3], $0x80, v2, vm0, $0xb8;
	[tilespmem:$0x10800] =	vst v63  }
0x1c8: {  	s23 =	simm.s32 $0xE800  }
0x1c9: {  	[tilespmem:s23], [sflag:$0x2] =	stream.indirect_vreg.gather [hbm4b:s15+s3], $0x80, v2, vm0, $0xb8;
	[tilespmem:$0x10800] =	vst v63  }
0x1ca: {  	s23 =	simm.s32 $0xF000  }
0x1cb: {  	[tilespmem:s23], [sflag:$0x2] =	stream.indirect_vreg.gather [hbm4b:s16+s3], $0x80, v2, vm0, $0xb8;
	[tilespmem:$0x10800] =	vst v63  }
0x1cc: {  	s23 =	simm.s32 $0xF800  }
0x1cd: {  	[tilespmem:s23], [sflag:$0x2] =	stream.indirect_vreg.gather [hbm4b:s17+s3], $0x80, v2, vm0, $0xb8;
	[tilespmem:$0x10800] =	vst v63  }
0x1ce: {  	s23 =	simm.s32 $0x10000  }
0x1cf: {  	[tilespmem:s23], [sflag:$0x2] =	stream.indirect_vreg.gather [hbm4b:s18+s3], $0x80, v2, vm0, $0xb8;
	[tilespmem:$0x10800] =	vst v63  }
0x1d0: {  	_ =	swait.ge [sflag:s1], $0x8000  }
0x1d1: {  	[sflag:s1] =	ssyncset.done $0x0  }
0x1d2: {  	s23 =	rddreg [dreg:$0xd];
	[sflag:s1] =	ssyncadd.s32 $0xFFFF8000  }
0x1d3: {  	[hbm4b:s23+s3] =	stream.linear.scatter [tilespmem:s2], [sflag:$0x4], $0x8000, $0x38;
	[tilespmem:$0x10800] =	vst v63  }
0x1d4: {  	_ =	swait.ge [sflag:s20], $0x8000  }
0x1d5: {  	[sflag:s20] =	ssyncset.done $0x0  }
0x1d6: {  	[sflag:s20] =	ssyncadd.s32 $0xFFFF8000  }
0x1d7: {  	v2 =	vld.msk [tilespmem:$0x500], $0xff;
	_ =	sdelay $0x4  }
0x1d8: {  	v3 =	vshll.u32 v2, $0x5  }
0x1d9: {  	v2 =	vand.u32 $0x7, v2;
	v3 =	vand.u32 $0xFFFFFF00, v3  }
0x1da: {  	v2 =	vor.u32 v2, v3  }
0x1db: {  	v2 =	vperm.xlane v2, v0;
	_ =	sdelay $0x1  }
0x1dc: {  	v2 =	vadd.s32 v1, v2;
	_ =	sdelay $0x4  }
0x1dd: {  	[tilespmem:s26], [sflag:$0x1] =	stream.indirect_vreg.gather [hbm4b:s21+s3], $0x80, v2, vm0, $0xb8;
	[tilespmem:$0x10800] =	vst v63  }
0x1de: {  	s23 =	simm.s32 $0x1000  }
0x1df: {  	[tilespmem:s23], [sflag:$0x1] =	stream.indirect_vreg.gather [hbm4b:s4+s3], $0x80, v2, vm0, $0xb8;
	[tilespmem:$0x10800] =	vst v63  }
0x1e0: {  	s19 =	simm.s32 $0x1800  }
0x1e1: {  	[tilespmem:s19], [sflag:$0x1] =	stream.indirect_vreg.gather [hbm4b:s5+s3], $0x80, v2, vm0, $0xb8;
	[tilespmem:$0x10800] =	vst v63  }
0x1e2: {  	s0 =	simm.s32 $0x2000  }
0x1e3: {  	[tilespmem:s0], [sflag:$0x1] =	stream.indirect_vreg.gather [hbm4b:s6+s3], $0x80, v2, vm0, $0xb8;
	[tilespmem:$0x10800] =	vst v63  }
0x1e4: {  	s23 =	simm.s32 $0x2800  }
0x1e5: {  	[tilespmem:s23], [sflag:$0x1] =	stream.indirect_vreg.gather [hbm4b:s7+s3], $0x80, v2, vm0, $0xb8;
	[tilespmem:$0x10800] =	vst v63  }
0x1e6: {  	s23 =	simm.s32 $0x3000  }
0x1e7: {  	[tilespmem:s23], [sflag:$0x1] =	stream.indirect_vreg.gather [hbm4b:s8+s3], $0x80, v2, vm0, $0xb8;
	[tilespmem:$0x10800] =	vst v63  }
0x1e8: {  	s31 =	simm.s32 $0x3800  }
0x1e9: {  	[tilespmem:s31], [sflag:$0x1] =	stream.indirect_vreg.gather [hbm4b:s9+s3], $0x80, v2, vm0, $0xb8;
	[tilespmem:$0x10800] =	vst v63  }
0x1ea: {  	s30 =	simm.s32 $0x4000  }
0x1eb: {  	[tilespmem:s30], [sflag:$0x1] =	stream.indirect_vreg.gather [hbm4b:s10+s3], $0x80, v2, vm0, $0xb8;
	[tilespmem:$0x10800] =	vst v63  }
0x1ec: {  	s24 =	simm.s32 $0x4800  }
0x1ed: {  	[tilespmem:s24], [sflag:$0x1] =	stream.indirect_vreg.gather [hbm4b:s11+s3], $0x80, v2, vm0, $0xb8;
	[tilespmem:$0x10800] =	vst v63  }
0x1ee: {  	s28 =	simm.s32 $0x5000  }
0x1ef: {  	[tilespmem:s28], [sflag:$0x1] =	stream.indirect_vreg.gather [hbm4b:s12+s3], $0x80, v2, vm0, $0xb8;
	[tilespmem:$0x10800] =	vst v63  }
0x1f0: {  	s29 =	simm.s32 $0x5800  }
0x1f1: {  	[tilespmem:s29], [sflag:$0x1] =	stream.indirect_vreg.gather [hbm4b:s13+s3], $0x80, v2, vm0, $0xb8;
	[tilespmem:$0x10800] =	vst v63  }
0x1f2: {  	s30 =	simm.s32 $0x6000  }
0x1f3: {  	[tilespmem:s30], [sflag:$0x1] =	stream.indirect_vreg.gather [hbm4b:s14+s3], $0x80, v2, vm0, $0xb8;
	[tilespmem:$0x10800] =	vst v63  }
0x1f4: {  	s24 =	simm.s32 $0x6800  }
0x1f5: {  	[tilespmem:s24], [sflag:$0x1] =	stream.indirect_vreg.gather [hbm4b:s15+s3], $0x80, v2, vm0, $0xb8;
	[tilespmem:$0x10800] =	vst v63  }
0x1f6: {  	s28 =	simm.s32 $0x7000  }
0x1f7: {  	[tilespmem:s28], [sflag:$0x1] =	stream.indirect_vreg.gather [hbm4b:s16+s3], $0x80, v2, vm0, $0xb8;
	[tilespmem:$0x10800] =	vst v63  }
0x1f8: {  	s29 =	simm.s32 $0x7800  }
0x1f9: {  	[tilespmem:s29], [sflag:$0x1] =	stream.indirect_vreg.gather [hbm4b:s17+s3], $0x80, v2, vm0, $0xb8;
	[tilespmem:$0x10800] =	vst v63  }
0x1fa: {  	s30 =	simm.s32 $0x8000  }
0x1fb: {  	[tilespmem:s30], [sflag:$0x1] =	stream.indirect_vreg.gather [hbm4b:s18+s3], $0x80, v2, vm0, $0xb8;
	[tilespmem:$0x10800] =	vst v63  }
0x1fc: {  	_ =	swait.ge [sflag:s25], $0x8000  }
0x1fd: {  	[sflag:s25] =	ssyncset.done $0x0  }
0x1fe: {  	s24 =	rddreg [dreg:$0xe];
	[sflag:s25] =	ssyncadd.s32 $0xFFFF8000  }
0x1ff: {  	[hbm4b:s24+s3] =	stream.linear.scatter [tilespmem:s26], [sflag:$0x3], $0x8000, $0x38;
	[tilespmem:$0x10800] =	vst v63  }
0x200: {  	_ =	swait.ge [sflag:s22], $0x8000  }
0x201: {  	[sflag:s22] =	ssyncset.done $0x0  }
0x202: {  	[sflag:s22] =	ssyncadd.s32 $0xFFFF8000  }
0x203: {  	v2 =	vld.msk [tilespmem:$0x580], $0xff;
	_ =	sdelay $0x4  }
0x204: {  	v3 =	vshll.u32 v2, $0x5  }
0x205: {  	v2 =	vand.u32 $0x7, v2;
	v3 =	vand.u32 $0xFFFFFF00, v3  }
0x206: {  	v2 =	vor.u32 v2, v3  }
0x207: {  	v2 =	vperm.xlane v2, v0;
	_ =	sdelay $0x1  }
0x208: {  	v2 =	vadd.s32 v1, v2;
	_ =	sdelay $0x4  }
0x209: {  	[tilespmem:s2], [sflag:$0x2] =	stream.indirect_vreg.gather [hbm4b:s21+s3], $0x80, v2, vm0, $0xb8;
	[tilespmem:$0x10800] =	vst v63  }
0x20a: {  	s28 =	simm.s32 $0x9000  }
0x20b: {  	[tilespmem:s28], [sflag:$0x2] =	stream.indirect_vreg.gather [hbm4b:s4+s3], $0x80, v2, vm0, $0xb8;
	[tilespmem:$0x10800] =	vst v63  }
0x20c: {  	s29 =	simm.s32 $0x9800  }
0x20d: {  	[tilespmem:s29], [sflag:$0x2] =	stream.indirect_vreg.gather [hbm4b:s5+s3], $0x80, v2, vm0, $0xb8;
	[tilespmem:$0x10800] =	vst v63  }
0x20e: {  	s30 =	simm.s32 $0xA000  }
0x20f: {  	[tilespmem:s30], [sflag:$0x2] =	stream.indirect_vreg.gather [hbm4b:s6+s3], $0x80, v2, vm0, $0xb8;
	[tilespmem:$0x10800] =	vst v63  }
0x210: {  	s24 =	simm.s32 $0xA800  }
0x211: {  	[tilespmem:s24], [sflag:$0x2] =	stream.indirect_vreg.gather [hbm4b:s7+s3], $0x80, v2, vm0, $0xb8;
	[tilespmem:$0x10800] =	vst v63  }
0x212: {  	s28 =	simm.s32 $0xB000  }
0x213: {  	[tilespmem:s28], [sflag:$0x2] =	stream.indirect_vreg.gather [hbm4b:s8+s3], $0x80, v2, vm0, $0xb8;
	[tilespmem:$0x10800] =	vst v63  }
0x214: {  	s29 =	simm.s32 $0xB800  }
0x215: {  	[tilespmem:s29], [sflag:$0x2] =	stream.indirect_vreg.gather [hbm4b:s9+s3], $0x80, v2, vm0, $0xb8;
	[tilespmem:$0x10800] =	vst v63  }
0x216: {  	s30 =	simm.s32 $0xC000  }
0x217: {  	[tilespmem:s30], [sflag:$0x2] =	stream.indirect_vreg.gather [hbm4b:s10+s3], $0x80, v2, vm0, $0xb8;
	[tilespmem:$0x10800] =	vst v63  }
0x218: {  	s24 =	simm.s32 $0xC800  }
0x219: {  	[tilespmem:s24], [sflag:$0x2] =	stream.indirect_vreg.gather [hbm4b:s11+s3], $0x80, v2, vm0, $0xb8;
	[tilespmem:$0x10800] =	vst v63  }
0x21a: {  	s28 =	simm.s32 $0xD000  }
0x21b: {  	[tilespmem:s28], [sflag:$0x2] =	stream.indirect_vreg.gather [hbm4b:s12+s3], $0x80, v2, vm0, $0xb8;
	[tilespmem:$0x10800] =	vst v63  }
0x21c: {  	s29 =	simm.s32 $0xD800  }
0x21d: {  	[tilespmem:s29], [sflag:$0x2] =	stream.indirect_vreg.gather [hbm4b:s13+s3], $0x80, v2, vm0, $0xb8;
	[tilespmem:$0x10800] =	vst v63  }
0x21e: {  	s30 =	simm.s32 $0xE000  }
0x21f: {  	[tilespmem:s30], [sflag:$0x2] =	stream.indirect_vreg.gather [hbm4b:s14+s3], $0x80, v2, vm0, $0xb8;
	[tilespmem:$0x10800] =	vst v63  }
0x220: {  	s24 =	simm.s32 $0xE800  }
0x221: {  	[tilespmem:s24], [sflag:$0x2] =	stream.indirect_vreg.gather [hbm4b:s15+s3], $0x80, v2, vm0, $0xb8;
	[tilespmem:$0x10800] =	vst v63  }
0x222: {  	s28 =	simm.s32 $0xF000  }
0x223: {  	[tilespmem:s28], [sflag:$0x2] =	stream.indirect_vreg.gather [hbm4b:s16+s3], $0x80, v2, vm0, $0xb8;
	[tilespmem:$0x10800] =	vst v63  }
0x224: {  	s29 =	simm.s32 $0xF800  }
0x225: {  	[tilespmem:s29], [sflag:$0x2] =	stream.indirect_vreg.gather [hbm4b:s17+s3], $0x80, v2, vm0, $0xb8;
	[tilespmem:$0x10800] =	vst v63  }
0x226: {  	s30 =	simm.s32 $0x10000  }
0x227: {  	[tilespmem:s30], [sflag:$0x2] =	stream.indirect_vreg.gather [hbm4b:s18+s3], $0x80, v2, vm0, $0xb8;
	[tilespmem:$0x10800] =	vst v63  }
0x228: {  	_ =	swait.ge [sflag:s1], $0x8000  }
0x229: {  	[sflag:s1] =	ssyncset.done $0x0  }
0x22a: {  	s24 =	rddreg [dreg:$0xf];
	[sflag:s1] =	ssyncadd.s32 $0xFFFF8000  }
0x22b: {  	[hbm4b:s24+s3] =	stream.linear.scatter [tilespmem:s2], [sflag:$0x4], $0x8000, $0x38;
	[tilespmem:$0x10800] =	vst v63  }
0x22c: {  	_ =	swait.ge [sflag:s20], $0x8000  }
0x22d: {  	[sflag:s20] =	ssyncset.done $0x0  }
0x22e: {  	[sflag:s20] =	ssyncadd.s32 $0xFFFF8000  }
0x22f: {  	v2 =	vld.msk [tilespmem:$0x600], $0xff;
	_ =	sdelay $0x4  }
0x230: {  	v3 =	vshll.u32 v2, $0x5  }
0x231: {  	v2 =	vand.u32 $0x7, v2;
	v3 =	vand.u32 $0xFFFFFF00, v3  }
0x232: {  	v2 =	vor.u32 v2, v3  }
0x233: {  	v2 =	vperm.xlane v2, v0;
	_ =	sdelay $0x1  }
0x234: {  	v2 =	vadd.s32 v1, v2;
	_ =	sdelay $0x4  }
0x235: {  	[tilespmem:s26], [sflag:$0x1] =	stream.indirect_vreg.gather [hbm4b:s21+s3], $0x80, v2, vm0, $0xb8;
	[tilespmem:$0x10800] =	vst v63  }
0x236: {  	s28 =	simm.s32 $0x1000  }
0x237: {  	[tilespmem:s28], [sflag:$0x1] =	stream.indirect_vreg.gather [hbm4b:s4+s3], $0x80, v2, vm0, $0xb8;
	[tilespmem:$0x10800] =	vst v63  }
0x238: {  	s19 =	simm.s32 $0x1800  }
0x239: {  	[tilespmem:s19], [sflag:$0x1] =	stream.indirect_vreg.gather [hbm4b:s5+s3], $0x80, v2, vm0, $0xb8;
	[tilespmem:$0x10800] =	vst v63  }
0x23a: {  	s0 =	simm.s32 $0x2000  }
0x23b: {  	[tilespmem:s0], [sflag:$0x1] =	stream.indirect_vreg.gather [hbm4b:s6+s3], $0x80, v2, vm0, $0xb8;
	[tilespmem:$0x10800] =	vst v63  }
0x23c: {  	s29 =	simm.s32 $0x2800  }
0x23d: {  	[tilespmem:s29], [sflag:$0x1] =	stream.indirect_vreg.gather [hbm4b:s7+s3], $0x80, v2, vm0, $0xb8;
	[tilespmem:$0x10800] =	vst v63  }
0x23e: {  	s30 =	simm.s32 $0x3000  }
0x23f: {  	[tilespmem:s30], [sflag:$0x1] =	stream.indirect_vreg.gather [hbm4b:s8+s3], $0x80, v2, vm0, $0xb8;
	[tilespmem:$0x10800] =	vst v63  }
0x240: {  	s23 =	simm.s32 $0x3800  }
0x241: {  	[tilespmem:s23], [sflag:$0x1] =	stream.indirect_vreg.gather [hbm4b:s9+s3], $0x80, v2, vm0, $0xb8;
	[tilespmem:$0x10800] =	vst v63  }
0x242: {  	s31 =	simm.s32 $0x4000  }
0x243: {  	[tilespmem:s31], [sflag:$0x1] =	stream.indirect_vreg.gather [hbm4b:s10+s3], $0x80, v2, vm0, $0xb8;
	[tilespmem:$0x10800] =	vst v63  }
0x244: {  	s23 =	simm.s32 $0x4800  }
0x245: {  	[tilespmem:s23], [sflag:$0x1] =	stream.indirect_vreg.gather [hbm4b:s11+s3], $0x80, v2, vm0, $0xb8;
	[tilespmem:$0x10800] =	vst v63  }
0x246: {  	s23 =	simm.s32 $0x5000  }
0x247: {  	[tilespmem:s23], [sflag:$0x1] =	stream.indirect_vreg.gather [hbm4b:s12+s3], $0x80, v2, vm0, $0xb8;
	[tilespmem:$0x10800] =	vst v63  }
0x248: {  	s23 =	simm.s32 $0x5800  }
0x249: {  	[tilespmem:s23], [sflag:$0x1] =	stream.indirect_vreg.gather [hbm4b:s13+s3], $0x80, v2, vm0, $0xb8;
	[tilespmem:$0x10800] =	vst v63  }
0x24a: {  	s23 =	simm.s32 $0x6000  }
0x24b: {  	[tilespmem:s23], [sflag:$0x1] =	stream.indirect_vreg.gather [hbm4b:s14+s3], $0x80, v2, vm0, $0xb8;
	[tilespmem:$0x10800] =	vst v63  }
0x24c: {  	s23 =	simm.s32 $0x6800  }
0x24d: {  	[tilespmem:s23], [sflag:$0x1] =	stream.indirect_vreg.gather [hbm4b:s15+s3], $0x80, v2, vm0, $0xb8;
	[tilespmem:$0x10800] =	vst v63  }
0x24e: {  	s23 =	simm.s32 $0x7000  }
0x24f: {  	[tilespmem:s23], [sflag:$0x1] =	stream.indirect_vreg.gather [hbm4b:s16+s3], $0x80, v2, vm0, $0xb8;
	[tilespmem:$0x10800] =	vst v63  }
0x250: {  	s23 =	simm.s32 $0x7800  }
0x251: {  	[tilespmem:s23], [sflag:$0x1] =	stream.indirect_vreg.gather [hbm4b:s17+s3], $0x80, v2, vm0, $0xb8;
	[tilespmem:$0x10800] =	vst v63  }
0x252: {  	s23 =	simm.s32 $0x8000  }
0x253: {  	[tilespmem:s23], [sflag:$0x1] =	stream.indirect_vreg.gather [hbm4b:s18+s3], $0x80, v2, vm0, $0xb8;
	[tilespmem:$0x10800] =	vst v63  }
0x254: {  	_ =	swait.ge [sflag:s25], $0x8000  }
0x255: {  	[sflag:s25] =	ssyncset.done $0x0  }
0x256: {  	s0 =	rddreg [dreg:$0x10];
	[sflag:s25] =	ssyncadd.s32 $0xFFFF8000  }
0x257: {  	[hbm4b:s0+s3] =	stream.linear.scatter [tilespmem:s26], [sflag:$0x3], $0x8000, $0x38;
	[tilespmem:$0x10800] =	vst v63  }
0x258: {  	_ =	swait.ge [sflag:s22], $0x8000  }
0x259: {  	[sflag:s22] =	ssyncset.done $0x0  }
0x25a: {  	[sflag:s22] =	ssyncadd.s32 $0xFFFF8000  }
0x25b: {  	v2 =	vld.msk [tilespmem:$0x680], $0xff;
	_ =	sdelay $0x4  }
0x25c: {  	v3 =	vshll.u32 v2, $0x5  }
0x25d: {  	v2 =	vand.u32 $0x7, v2;
	v3 =	vand.u32 $0xFFFFFF00, v3  }
0x25e: {  	v2 =	vor.u32 v2, v3  }
0x25f: {  	v2 =	vperm.xlane v2, v0;
	_ =	sdelay $0x1  }
0x260: {  	v2 =	vadd.s32 v1, v2;
	_ =	sdelay $0x4  }
0x261: {  	[tilespmem:s2], [sflag:$0x2] =	stream.indirect_vreg.gather [hbm4b:s21+s3], $0x80, v2, vm0, $0xb8;
	[tilespmem:$0x10800] =	vst v63  }
0x262: {  	s23 =	simm.s32 $0x9000  }
0x263: {  	[tilespmem:s23], [sflag:$0x2] =	stream.indirect_vreg.gather [hbm4b:s4+s3], $0x80, v2, vm0, $0xb8;
	[tilespmem:$0x10800] =	vst v63  }
0x264: {  	s23 =	simm.s32 $0x9800  }
0x265: {  	[tilespmem:s23], [sflag:$0x2] =	stream.indirect_vreg.gather [hbm4b:s5+s3], $0x80, v2, vm0, $0xb8;
	[tilespmem:$0x10800] =	vst v63  }
0x266: {  	s23 =	simm.s32 $0xA000  }
0x267: {  	[tilespmem:s23], [sflag:$0x2] =	stream.indirect_vreg.gather [hbm4b:s6+s3], $0x80, v2, vm0, $0xb8;
	[tilespmem:$0x10800] =	vst v63  }
0x268: {  	s23 =	simm.s32 $0xA800  }
0x269: {  	[tilespmem:s23], [sflag:$0x2] =	stream.indirect_vreg.gather [hbm4b:s7+s3], $0x80, v2, vm0, $0xb8;
	[tilespmem:$0x10800] =	vst v63  }
0x26a: {  	s23 =	simm.s32 $0xB000  }
0x26b: {  	[tilespmem:s23], [sflag:$0x2] =	stream.indirect_vreg.gather [hbm4b:s8+s3], $0x80, v2, vm0, $0xb8;
	[tilespmem:$0x10800] =	vst v63  }
0x26c: {  	s23 =	simm.s32 $0xB800  }
0x26d: {  	[tilespmem:s23], [sflag:$0x2] =	stream.indirect_vreg.gather [hbm4b:s9+s3], $0x80, v2, vm0, $0xb8;
	[tilespmem:$0x10800] =	vst v63  }
0x26e: {  	s23 =	simm.s32 $0xC000  }
0x26f: {  	[tilespmem:s23], [sflag:$0x2] =	stream.indirect_vreg.gather [hbm4b:s10+s3], $0x80, v2, vm0, $0xb8;
	[tilespmem:$0x10800] =	vst v63  }
0x270: {  	s23 =	simm.s32 $0xC800  }
0x271: {  	[tilespmem:s23], [sflag:$0x2] =	stream.indirect_vreg.gather [hbm4b:s11+s3], $0x80, v2, vm0, $0xb8;
	[tilespmem:$0x10800] =	vst v63  }
0x272: {  	s23 =	simm.s32 $0xD000  }
0x273: {  	[tilespmem:s23], [sflag:$0x2] =	stream.indirect_vreg.gather [hbm4b:s12+s3], $0x80, v2, vm0, $0xb8;
	[tilespmem:$0x10800] =	vst v63  }
0x274: {  	s23 =	simm.s32 $0xD800  }
0x275: {  	[tilespmem:s23], [sflag:$0x2] =	stream.indirect_vreg.gather [hbm4b:s13+s3], $0x80, v2, vm0, $0xb8;
	[tilespmem:$0x10800] =	vst v63  }
0x276: {  	s23 =	simm.s32 $0xE000  }
0x277: {  	[tilespmem:s23], [sflag:$0x2] =	stream.indirect_vreg.gather [hbm4b:s14+s3], $0x80, v2, vm0, $0xb8;
	[tilespmem:$0x10800] =	vst v63  }
0x278: {  	s23 =	simm.s32 $0xE800  }
0x279: {  	[tilespmem:s23], [sflag:$0x2] =	stream.indirect_vreg.gather [hbm4b:s15+s3], $0x80, v2, vm0, $0xb8;
	[tilespmem:$0x10800] =	vst v63  }
0x27a: {  	s23 =	simm.s32 $0xF000  }
0x27b: {  	[tilespmem:s23], [sflag:$0x2] =	stream.indirect_vreg.gather [hbm4b:s16+s3], $0x80, v2, vm0, $0xb8;
	[tilespmem:$0x10800] =	vst v63  }
0x27c: {  	s23 =	simm.s32 $0xF800  }
0x27d: {  	[tilespmem:s23], [sflag:$0x2] =	stream.indirect_vreg.gather [hbm4b:s17+s3], $0x80, v2, vm0, $0xb8;
	[tilespmem:$0x10800] =	vst v63  }
0x27e: {  	s23 =	simm.s32 $0x10000  }
0x27f: {  	[tilespmem:s23], [sflag:$0x2] =	stream.indirect_vreg.gather [hbm4b:s18+s3], $0x80, v2, vm0, $0xb8;
	[tilespmem:$0x10800] =	vst v63  }
0x280: {  	_ =	swait.ge [sflag:s1], $0x8000  }
0x281: {  	[sflag:s1] =	ssyncset.done $0x0  }
0x282: {  	s0 =	rddreg [dreg:$0x11];
	[sflag:s1] =	ssyncadd.s32 $0xFFFF8000  }
0x283: {  	[hbm4b:s0+s3] =	stream.linear.scatter [tilespmem:s2], [sflag:$0x4], $0x8000, $0x38;
	[tilespmem:$0x10800] =	vst v63  }
0x284: {  	_ =	swait.ge [sflag:s20], $0x8000  }
0x285: {  	[sflag:s20] =	ssyncset.done $0x0  }
0x286: {  	[sflag:s20] =	ssyncadd.s32 $0xFFFF8000  }
0x287: {  	v2 =	vld.msk [tilespmem:$0x700], $0xff;
	_ =	sdelay $0x4  }
0x288: {  	v3 =	vshll.u32 v2, $0x5  }
0x289: {  	v2 =	vand.u32 $0x7, v2;
	v3 =	vand.u32 $0xFFFFFF00, v3  }
0x28a: {  	v2 =	vor.u32 v2, v3  }
0x28b: {  	v2 =	vperm.xlane v2, v0;
	_ =	sdelay $0x1  }
0x28c: {  	v2 =	vadd.s32 v1, v2;
	_ =	sdelay $0x4  }
0x28d: {  	[tilespmem:s26], [sflag:$0x1] =	stream.indirect_vreg.gather [hbm4b:s21+s3], $0x80, v2, vm0, $0xb8;
	[tilespmem:$0x10800] =	vst v63  }
0x28e: {  	s28 =	simm.s32 $0x1000  }
0x28f: {  	[tilespmem:s28], [sflag:$0x1] =	stream.indirect_vreg.gather [hbm4b:s4+s3], $0x80, v2, vm0, $0xb8;
	[tilespmem:$0x10800] =	vst v63  }
0x290: {  	s24 =	simm.s32 $0x1800  }
0x291: {  	[tilespmem:s24], [sflag:$0x1] =	stream.indirect_vreg.gather [hbm4b:s5+s3], $0x80, v2, vm0, $0xb8;
	[tilespmem:$0x10800] =	vst v63  }
0x292: {  	s19 =	simm.s32 $0x2000  }
0x293: {  	[tilespmem:s19], [sflag:$0x1] =	stream.indirect_vreg.gather [hbm4b:s6+s3], $0x80, v2, vm0, $0xb8;
	[tilespmem:$0x10800] =	vst v63  }
0x294: {  	s29 =	simm.s32 $0x2800  }
0x295: {  	[tilespmem:s29], [sflag:$0x1] =	stream.indirect_vreg.gather [hbm4b:s7+s3], $0x80, v2, vm0, $0xb8;
	[tilespmem:$0x10800] =	vst v63  }
0x296: {  	s30 =	simm.s32 $0x3000  }
0x297: {  	[tilespmem:s30], [sflag:$0x1] =	stream.indirect_vreg.gather [hbm4b:s8+s3], $0x80, v2, vm0, $0xb8;
	[tilespmem:$0x10800] =	vst v63  }
0x298: {  	s23 =	simm.s32 $0x3800  }
0x299: {  	[tilespmem:s23], [sflag:$0x1] =	stream.indirect_vreg.gather [hbm4b:s9+s3], $0x80, v2, vm0, $0xb8;
	[tilespmem:$0x10800] =	vst v63  }
0x29a: {  	s31 =	simm.s32 $0x4000  }
0x29b: {  	[tilespmem:s31], [sflag:$0x1] =	stream.indirect_vreg.gather [hbm4b:s10+s3], $0x80, v2, vm0, $0xb8;
	[tilespmem:$0x10800] =	vst v63  }
0x29c: {  	s24 =	simm.s32 $0x4800  }
0x29d: {  	[tilespmem:s24], [sflag:$0x1] =	stream.indirect_vreg.gather [hbm4b:s11+s3], $0x80, v2, vm0, $0xb8;
	[tilespmem:$0x10800] =	vst v63  }
0x29e: {  	s28 =	simm.s32 $0x5000  }
0x29f: {  	[tilespmem:s28], [sflag:$0x1] =	stream.indirect_vreg.gather [hbm4b:s12+s3], $0x80, v2, vm0, $0xb8;
	[tilespmem:$0x10800] =	vst v63  }
0x2a0: {  	s29 =	simm.s32 $0x5800  }
0x2a1: {  	[tilespmem:s29], [sflag:$0x1] =	stream.indirect_vreg.gather [hbm4b:s13+s3], $0x80, v2, vm0, $0xb8;
	[tilespmem:$0x10800] =	vst v63  }
0x2a2: {  	s30 =	simm.s32 $0x6000  }
0x2a3: {  	[tilespmem:s30], [sflag:$0x1] =	stream.indirect_vreg.gather [hbm4b:s14+s3], $0x80, v2, vm0, $0xb8;
	[tilespmem:$0x10800] =	vst v63  }
0x2a4: {  	s31 =	simm.s32 $0x6800  }
0x2a5: {  	[tilespmem:s31], [sflag:$0x1] =	stream.indirect_vreg.gather [hbm4b:s15+s3], $0x80, v2, vm0, $0xb8;
	[tilespmem:$0x10800] =	vst v63  }
0x2a6: {  	s23 =	simm.s32 $0x7000  }
0x2a7: {  	[tilespmem:s23], [sflag:$0x1] =	stream.indirect_vreg.gather [hbm4b:s16+s3], $0x80, v2, vm0, $0xb8;
	[tilespmem:$0x10800] =	vst v63  }
0x2a8: {  	s24 =	simm.s32 $0x7800  }
0x2a9: {  	[tilespmem:s24], [sflag:$0x1] =	stream.indirect_vreg.gather [hbm4b:s17+s3], $0x80, v2, vm0, $0xb8;
	[tilespmem:$0x10800] =	vst v63  }
0x2aa: {  	s28 =	simm.s32 $0x8000  }
0x2ab: {  	[tilespmem:s28], [sflag:$0x1] =	stream.indirect_vreg.gather [hbm4b:s18+s3], $0x80, v2, vm0, $0xb8;
	[tilespmem:$0x10800] =	vst v63  }
0x2ac: {  	s0 =	rddreg [dreg:$0x14];
	_ =	swait.ge [sflag:s25], $0x8000  }
0x2ad: {  	[sflag:s25] =	ssyncset.done $0x0  }
0x2ae: {  	s29 =	rddreg [dreg:$0x12];
	[sflag:s25] =	ssyncadd.s32 $0xFFFF8000  }
0x2af: {  	[hbm4b:s29+s3] =	stream.linear.scatter [tilespmem:s26], [sflag:$0x3], $0x8000, $0x38;
	[tilespmem:$0x10800] =	vst v63  }
0x2b0: {  	_ =	swait.ge [sflag:s22], $0x8000  }
0x2b1: {  	[sflag:s22] =	ssyncset.done $0x0  }
0x2b2: {  	[sflag:s22] =	ssyncadd.s32 $0xFFFF8000  }
0x2b3: {  	v2 =	vld.msk [tilespmem:$0x780], $0xff;
	_ =	sdelay $0x4  }
0x2b4: {  	v3 =	vshll.u32 v2, $0x5  }
0x2b5: {  	v2 =	vand.u32 $0x7, v2;
	v3 =	vand.u32 $0xFFFFFF00, v3  }
0x2b6: {  	v2 =	vor.u32 v2, v3  }
0x2b7: {  	v2 =	vperm.xlane v2, v0;
	_ =	sdelay $0x1  }
0x2b8: {  	v2 =	vadd.s32 v1, v2;
	_ =	sdelay $0x4  }
0x2b9: {  	[tilespmem:s2], [sflag:$0x2] =	stream.indirect_vreg.gather [hbm4b:s21+s3], $0x80, v2, vm0, $0xb8;
	[tilespmem:$0x10800] =	vst v63  }
0x2ba: {  	s30 =	simm.s32 $0x9000  }
0x2bb: {  	[tilespmem:s30], [sflag:$0x2] =	stream.indirect_vreg.gather [hbm4b:s4+s3], $0x80, v2, vm0, $0xb8;
	[tilespmem:$0x10800] =	vst v63  }
0x2bc: {  	s31 =	simm.s32 $0x9800  }
0x2bd: {  	[tilespmem:s31], [sflag:$0x2] =	stream.indirect_vreg.gather [hbm4b:s5+s3], $0x80, v2, vm0, $0xb8;
	[tilespmem:$0x10800] =	vst v63  }
0x2be: {  	s21 =	simm.s32 $0xA000  }
0x2bf: {  	[tilespmem:s21], [sflag:$0x2] =	stream.indirect_vreg.gather [hbm4b:s6+s3], $0x80, v2, vm0, $0xb8;
	[tilespmem:$0x10800] =	vst v63  }
0x2c0: {  	s23 =	simm.s32 $0xA800  }
0x2c1: {  	[tilespmem:s23], [sflag:$0x2] =	stream.indirect_vreg.gather [hbm4b:s7+s3], $0x80, v2, vm0, $0xb8;
	[tilespmem:$0x10800] =	vst v63  }
0x2c2: {  	s24 =	simm.s32 $0xB000  }
0x2c3: {  	[tilespmem:s24], [sflag:$0x2] =	stream.indirect_vreg.gather [hbm4b:s8+s3], $0x80, v2, vm0, $0xb8;
	[tilespmem:$0x10800] =	vst v63  }
0x2c4: {  	s28 =	simm.s32 $0xB800  }
0x2c5: {  	[tilespmem:s28], [sflag:$0x2] =	stream.indirect_vreg.gather [hbm4b:s9+s3], $0x80, v2, vm0, $0xb8;
	[tilespmem:$0x10800] =	vst v63  }
0x2c6: {  	s29 =	simm.s32 $0xC000  }
0x2c7: {  	[tilespmem:s29], [sflag:$0x2] =	stream.indirect_vreg.gather [hbm4b:s10+s3], $0x80, v2, vm0, $0xb8;
	[tilespmem:$0x10800] =	vst v63  }
0x2c8: {  	s30 =	simm.s32 $0xC800  }
0x2c9: {  	[tilespmem:s30], [sflag:$0x2] =	stream.indirect_vreg.gather [hbm4b:s11+s3], $0x80, v2, vm0, $0xb8;
	[tilespmem:$0x10800] =	vst v63  }
0x2ca: {  	s31 =	simm.s32 $0xD000  }
0x2cb: {  	[tilespmem:s31], [sflag:$0x2] =	stream.indirect_vreg.gather [hbm4b:s12+s3], $0x80, v2, vm0, $0xb8;
	[tilespmem:$0x10800] =	vst v63  }
0x2cc: {  	s21 =	simm.s32 $0xD800  }
0x2cd: {  	[tilespmem:s21], [sflag:$0x2] =	stream.indirect_vreg.gather [hbm4b:s13+s3], $0x80, v2, vm0, $0xb8;
	[tilespmem:$0x10800] =	vst v63  }
0x2ce: {  	s23 =	simm.s32 $0xE000  }
0x2cf: {  	[tilespmem:s23], [sflag:$0x2] =	stream.indirect_vreg.gather [hbm4b:s14+s3], $0x80, v2, vm0, $0xb8;
	[tilespmem:$0x10800] =	vst v63  }
0x2d0: {  	s24 =	simm.s32 $0xE800  }
0x2d1: {  	[tilespmem:s24], [sflag:$0x2] =	stream.indirect_vreg.gather [hbm4b:s15+s3], $0x80, v2, vm0, $0xb8;
	[tilespmem:$0x10800] =	vst v63  }
0x2d2: {  	s28 =	simm.s32 $0xF000  }
0x2d3: {  	[tilespmem:s28], [sflag:$0x2] =	stream.indirect_vreg.gather [hbm4b:s16+s3], $0x80, v2, vm0, $0xb8;
	[tilespmem:$0x10800] =	vst v63  }
0x2d4: {  	s29 =	simm.s32 $0xF800  }
0x2d5: {  	[tilespmem:s29], [sflag:$0x2] =	stream.indirect_vreg.gather [hbm4b:s17+s3], $0x80, v2, vm0, $0xb8;
	[tilespmem:$0x10800] =	vst v63  }
0x2d6: {  	s30 =	simm.s32 $0x10000  }
0x2d7: {  	[tilespmem:s30], [sflag:$0x2] =	stream.indirect_vreg.gather [hbm4b:s18+s3], $0x80, v2, vm0, $0xb8;
	[tilespmem:$0x10800] =	vst v63  }
0x2d8: {  	_ =	swait.ge [sflag:s1], $0x8000  }
0x2d9: {  	[sflag:s1] =	ssyncset.done $0x0  }
0x2da: {  	s31 =	rddreg [dreg:$0x13];
	[sflag:s1] =	ssyncadd.s32 $0xFFFF8000  }
0x2db: {  	[hbm4b:s31+s3] =	stream.linear.scatter [tilespmem:s2], [sflag:$0x4], $0x8000, $0x38;
	[tilespmem:$0x10800] =	vst v63  }
0x2dc: {  	p0 =	sne.s32 s0, $0x1;
	_ =	swait.ge [sflag:s20], $0x8000  }
.Ltmp0:
0x2dd: {  	[sflag:s20] =	ssyncset.done $0x0;
	(pc) =	sbr.rel @p0 .LBB2_1-.Ltmp0, $4  }
0x2de: {  	[sflag:s20] =	ssyncadd.s32 $0xFFFF8000  }
0x2df: {  	_ =	swait.ge [sflag:s22], $0x8000  }
0x2e0: {  	[sflag:s22] =	ssyncset.done $0x0  }
0x2e1: {  	s0 =	sadd.s32 $0xFFFFFFFF, s0;
	[sflag:s22] =	ssyncadd.s32 $0xFFFF8000  }
0x2e2: {  	_ =	sfence.sel $0x180000  }
0x2e3: {  	[bflag:$0x0] =	sbarrier.arrive $0xFFFF  }
0x2e4: {  	_ =	strace $0x90000047  }
0x2e5: {  	s0 =	stileid.u32;
	[bflag:$0x2] =	sbarrier.arrive $0xFFFF  }
0x2e6: {  	p0 =	sne.s32 s0, $0x0;
	s0 =	rddreg [dreg:$0x2]  }
0x2e7: {  	s0 =	sadd.s32 @!p0 $0x100000, s0  }
0x2e8: {  	[sflag:s0] =	ssyncadd.tile.s32 @!p0 $0x1;
	_ =	shalt  }
.Lfunc_end2:
_tile_overlayer_lowered:
.L_overlay_start_2:
0x2e9: {  	(tag) =	ssettag $0x2  }
0x2ea: {  	s0 =	rddreg [dreg:$0x0];
	s2 =	stileid.u32  }
0x2eb: {  	s1 =	rddreg [dreg:$0x1];
	p0 =	sne.s32 s2, $0x0  }
0x2ec: {  	s3 =	rddreg [dreg:$0x2];
	[bflag:$0x3] =	sbarrier.arrive $0xFFFF;
	s2 =	simm.s32 @!p0 $0x1C05  }
0x2ed: {  	[timem:s3], [sflag:s2] =	dma.local @!p0 [hbm:s0], s1  }
0x2ee: {  	s0 =	simm.s32 @!p0 $0x5  }
0x2ef: {  	_ =	swait.ge @!p0 [sflag:s0], s1  }
0x2f0: {  	s1 =	ssub.s32 @!p0 $0x0, s1;
	[sflag:s0] =	ssyncset.done @!p0 $0x0  }
0x2f1: {  	[sflag:s0] =	ssyncadd.s32 @!p0 s1  }
0x2f2: {  	[bflag:$0x3] =	sbarrier.arrive $0xFFFF  }
0x2f3: {  	_ =	shalt  }

</sc_bundles>
